<compile_context>
chip_gen: v7x
topology: tpu7x:2x2x1
jax: 0.10.2.dev20260603
libtpu: 0.0.44.dev20260713+nightly
codegen_flags: <defaults>
</compile_context>

<pallas_src>
import functools

import jax
import jax.numpy as jnp
import numpy as np
from jax import lax
from jax.experimental import pallas as pl
from jax.experimental.pallas import tpu as pltpu
from jax.experimental.pallas import tpu_sc as plsc

_D = 64
_NL = 8
_CHUNK = 128
_STEP = np.float32(2.0 / 6.0)


def _make_rfsq(nb, nseq):
    rows = nb * nseq
    info = plsc.get_sparse_core_info()
    nc, ns, lanes = info.num_cores, info.num_subcores, info.num_lanes
    nw = nc * ns
    rows_per_w = rows // nw
    nchunks = rows_per_w // _CHUNK
    groups = _CHUNK // lanes
    chunks_per_b = nseq // _CHUNK
    mesh = plsc.VectorSubcoreMesh(core_axis_name="c", subcore_axis_name="s")

    @functools.partial(
        pl.kernel,
        mesh=mesh,
        compiler_params=pltpu.CompilerParams(needs_layout_passes=False),
        out_type=[
            jax.ShapeDtypeStruct((nb, _D, nseq), jnp.float32),
            jax.ShapeDtypeStruct((nb, _D, _NL, nseq), jnp.int32),
        ],
        scratch_types=[
            pltpu.VMEM((_CHUNK * _D,), jnp.float32),
            pltpu.VMEM((_D * 16,), jnp.float32),
            pltpu.VMEM((_D, _CHUNK), jnp.float32),
            pltpu.VMEM((_D, _NL, _CHUNK), jnp.int32),
        ],
    )
    def rfsq(z_hbm, qsum_hbm, codes_hbm, zbuf, rt, zT, cbufT):
        wid = lax.axis_index("s") * nc + lax.axis_index("c")
        chunk0 = wid * nchunks
        iota = lax.iota(jnp.int32, lanes)

        half = np.float32(0.5)
        three_half = np.float32(1.5)
        magic = np.int32(0x5F3759DF)
        zerov = jnp.zeros((lanes,), jnp.float32)
        zeros8 = (zerov,) * 8

        def chunk_body(ci, carry):
            cidx = chunk0 + ci
            b_idx = cidx // chunks_per_b
            s0 = (cidx % chunks_per_b) * _CHUNK
            pltpu.sync_copy(z_hbm.at[pl.ds(cidx * (_CHUNK * _D), _CHUNK * _D)], zbuf)

            def group_body(g, gcarry):
                rloc = g * lanes + iota
                rv64 = rloc * _D

                @plsc.parallel_loop(0, _D, step=4, unroll=4, carry=zeros8)
                def stats0(j, acc):
                    acc = list(acc)
                    for k in range(4):
                        v = plsc.load_gather(zbuf, [rv64 + (j + k)])
                        rt[pl.ds((j + k) * lanes, lanes)] = v
                        zT[j + k, pl.ds(g * lanes, lanes)] = v
                        acc[k] = acc[k] + v
                        acc[4 + k] = acc[4 + k] + v * v
                    return tuple(acc)

                def layer_params(stats):
                    mean = ((stats[0] + stats[1]) + (stats[2] + stats[3])) * np.float32(1.0 / _D)
                    msq = ((stats[4] + stats[5]) + (stats[6] + stats[7])) * np.float32(1.0 / _D)
                    var = (msq - mean * mean) * np.float32(_D / (_D - 1.0))
                    var = jnp.maximum(var, np.float32(1e-30))
                    bits = lax.bitcast_convert_type(var, jnp.int32)
                    bits = magic - (bits >> 1)
                    y = lax.bitcast_convert_type(bits, jnp.float32)
                    xh = var * half
                    y = y * (three_half - xh * y * y)
                    y = y * (three_half - xh * y * y)
                    y = y * (three_half - xh * y * y)
                    std = var * y + np.float32(1e-5)
                    inv3 = np.float32(3.0) / std
                    c2 = np.float32(3.5) - mean * inv3
                    u = _STEP * std
                    vshift = mean - std
                    return inv3, c2, u, vshift

                def quantize(r, inv3, c2, u, vshift):
                    p = r * inv3 + c2
                    ii = jnp.clip(p.astype(jnp.int32), 0, 6)
                    zq = ii.astype(jnp.float32) * u + vshift
                    rn = r - zq
                    return ii, rn

                def layer_loop(l, stats):
                    inv3, c2, u, vshift = layer_params(stats)

                    @plsc.parallel_loop(0, _D, step=4, unroll=4, carry=zeros8)
                    def nacc(j, acc):
                        acc = list(acc)
                        for k in range(4):
                            r = rt[pl.ds((j + k) * lanes, lanes)]
                            ii, rn = quantize(r, inv3, c2, u, vshift)
                            cbufT[j + k, l, pl.ds(g * lanes, lanes)] = ii
                            rt[pl.ds((j + k) * lanes, lanes)] = rn
                            acc[k] = acc[k] + rn
                            acc[4 + k] = acc[4 + k] + rn * rn
                        return tuple(acc)

                    return nacc

                stats = lax.fori_loop(0, _NL - 1, layer_loop, stats0)

                inv3, c2, u, vshift = layer_params(stats)

                @plsc.parallel_loop(0, _D, step=4, unroll=4)
                def final_layer(j):
                    for k in range(4):
                        r = rt[pl.ds((j + k) * lanes, lanes)]
                        ii, rn = quantize(r, inv3, c2, u, vshift)
                        cbufT[j + k, _NL - 1, pl.ds(g * lanes, lanes)] = ii
                        zv = zT[j + k, pl.ds(g * lanes, lanes)]
                        zT[j + k, pl.ds(g * lanes, lanes)] = zv - rn

                return gcarry

            lax.fori_loop(0, groups, group_body, 0)

            pltpu.sync_copy(zT, qsum_hbm.at[b_idx, :, pl.ds(s0, _CHUNK)])
            pltpu.sync_copy(cbufT, codes_hbm.at[b_idx, :, :, pl.ds(s0, _CHUNK)])
            return carry

        lax.fori_loop(0, nchunks, chunk_body, 0)

    return rfsq


def kernel(z):
    b, s, d = z.shape
    qsumT, codesT = _make_rfsq(b, s)(z.reshape(b * s * d))
    qsum = jnp.transpose(qsumT, (0, 2, 1))
    codes = jnp.transpose(codesT, (0, 3, 1, 2))
    return qsum, codes

# --- scband reference (transcript-rebuilt; emitter-appended) ---
"""Pipeline reference for scband-robust-rfsqblock-22686017258069 (READ-ONLY COPY).

The authoritative reference and input builder live on the scoring server;
editing this copy changes nothing except your own understanding.
"""

import jax, jax.numpy as jnp
import numpy as np

NUM_LAYERS = 8
NUM_LEVELS = 7
USE_LAYERNORM = True


def setup_inputs(seed: int = 0) -> dict:
    key = jax.random.key(seed)
    z = jax.random.normal(key, (32, 1024, 64), dtype=jnp.float32)
    return {"z": z}


def _quantize(z, boundaries):
    # RobustSTEQuantizer.forward with use_layernorm=True
    original_mean = jnp.mean(z, axis=-1, keepdims=True)
    # torch.std is unbiased (ddof=1)
    original_std = jnp.std(z, axis=-1, keepdims=True, ddof=1) + 1e-05
    z_norm = (z - original_mean) / original_std
    # dist: [B, S, D, num_levels]
    dist = jnp.abs(z_norm[..., None] - boundaries)
    indices = jnp.argmin(dist, axis=-1)
    z_q_norm = boundaries[indices]
    z_q = z_q_norm * original_std + original_mean
    # straight-through estimator
    z_q_out = z + jax.lax.stop_gradient(z_q - z)
    return z_q_out, indices


def reference(z):
    boundaries = jnp.linspace(-1.0, 1.0, NUM_LEVELS).astype(jnp.float32)
    residual = z
    quantized_sum = jnp.zeros_like(z)
    all_indices = []
    for _ in range(NUM_LAYERS):
        z_q, indices = _quantize(residual, boundaries)
        quantized_sum = quantized_sum + z_q
        residual = residual - z_q
        all_indices.append(indices)
    codes = jnp.stack(all_indices, axis=-1)
    return (quantized_sum, codes)

if __name__ == "__main__":
    import jax
    _d = setup_inputs()
    print(jax.jit(kernel)(*tuple(_d.values())))

</pallas_src>

<mosaic_0001>
#map = affine_map<(d0, d1) -> (0)>
#map1 = affine_map<(d0, d1) -> (0, 0, 0)>
#map2 = affine_map<(d0, d1) -> (0, 0, 0, 0)>
module attributes {stable_mosaic.version = 14 : i64} {
  func.func @rfsq(%arg0: i32, %arg1: i32, %arg2: memref<2097152xf32, #tpu.memory_space<hbm>>, %arg3: memref<32x64x1024xf32, #tpu.memory_space<hbm>>, %arg4: memref<32x64x8x1024xi32, #tpu.memory_space<hbm>>, %arg5: memref<8192xf32, #tpu.memory_space<vmem>>, %arg6: memref<1024xf32, #tpu.memory_space<vmem>>, %arg7: memref<64x128xf32, #tpu.memory_space<vmem>>, %arg8: memref<64x8x128xi32, #tpu.memory_space<vmem>>) attributes {dimension_semantics = [#tpu.dimension_semantics<core_parallel>, #tpu.dimension_semantics<subcore_parallel>], iteration_bounds = array<i64: 2, 16>, scalar_prefetch = 0 : i64, scratch_operands = 4 : i64, tpu.core_type = #tpu.core_type<sc_vector_subcore>, window_params = [{transform_indices = #map}, {transform_indices = #map1}, {transform_indices = #map2}]} {
    %mul3A = arith.constant 2 : i32
    %mul3A_0 = arith.muli %arg1, %mul3A : i32
    %add3A = arith.addi %mul3A_0, %arg0 : i32
    %mul3A_1 = arith.constant 8 : i32
    %mul3A_2 = arith.muli %add3A, %mul3A_1 : i32
    %iota3A = tpu.iota {dimensions = array<i32: 0>} : vector<16xi32>
    %broadcast_in_dim3A = arith.constant 0.000000e+00 : f32
    %broadcast_in_dim3A_3 = vector.broadcast %broadcast_in_dim3A : f32 to vector<16xf32>
    %scan3A = arith.constant 0 : i32
    %scan3A_4 = arith.constant 0 : i32
    %scan3A_5 = arith.constant 8 : i32
    %scan3A_6 = arith.addi %scan3A_4, %scan3A_5 : i32
    %scan3A_7 = arith.constant 1 : i32
    scf.for %scan3A_9 = %scan3A_4 to %scan3A_6 step %scan3A_7  : i32 {
      %add3A_10 = arith.addi %mul3A_2, %scan3A_9 : i32
      %jit3A = arith.constant 8 : i32
      %div3A = arith.divsi %add3A_10, %jit3A : i32
      %sign3A = arith.constant 0 : i32
      %sign3A_11 = arith.cmpi sgt, %add3A_10, %sign3A : i32
      %sign3A_12 = arith.extui %sign3A_11 : i1 to i32
      %sign3A_13 = arith.constant 0 : i32
      %sign3A_14 = arith.cmpi slt, %add3A_10, %sign3A_13 : i32
      %sign3A_15 = arith.extui %sign3A_14 : i1 to i32
      %sign3A_16 = arith.subi %sign3A_12, %sign3A_15 : i32
      %sign3A_17 = arith.constant 0 : i32
      %sign3A_18 = arith.cmpi sgt, %jit3A, %sign3A_17 : i32
      %sign3A_19 = arith.extui %sign3A_18 : i1 to i32
      %sign3A_20 = arith.constant 0 : i32
      %sign3A_21 = arith.cmpi slt, %jit3A, %sign3A_20 : i32
      %sign3A_22 = arith.extui %sign3A_21 : i1 to i32
      %sign3A_23 = arith.subi %sign3A_19, %sign3A_22 : i32
      %ne3A = arith.cmpi ne, %sign3A_16, %sign3A_23 : i32
      %rem3A = arith.remsi %add3A_10, %jit3A : i32
      %ne3A_24 = arith.constant 0 : i32
      %ne3A_25 = arith.cmpi ne, %rem3A, %ne3A_24 : i32
      %and3A = arith.andi %ne3A, %ne3A_25 : i1
      %sub3A = arith.constant 1 : i32
      %sub3A_26 = arith.subi %div3A, %sub3A : i32
      %select_n3A = arith.select %and3A, %sub3A_26, %div3A : i32
      %jit3A_27 = arith.constant 8 : i32
      %eq3A = arith.constant 0 : i32
      %eq3A_28 = arith.cmpi eq, %jit3A_27, %eq3A : i32
      %jit3A_29 = arith.constant 1 : i32
      %select_n3A_30 = arith.select %eq3A_28, %jit3A_29, %jit3A_27 : i32
      %rem3A_31 = arith.remsi %add3A_10, %select_n3A_30 : i32
      %ne3A_32 = arith.constant 0 : i32
      %ne3A_33 = arith.cmpi ne, %rem3A_31, %ne3A_32 : i32
      %lt3A = arith.constant 0 : i32
      %lt3A_34 = arith.cmpi slt, %rem3A_31, %lt3A : i32
      %lt3A_35 = arith.constant 0 : i32
      %lt3A_36 = arith.cmpi slt, %select_n3A_30, %lt3A_35 : i32
      %ne3A_37 = arith.xori %lt3A_34, %lt3A_36 : i1
      %and3A_38 = arith.andi %ne3A_37, %ne3A_33 : i1
      %add3A_39 = arith.addi %rem3A_31, %select_n3A_30 : i32
      %select_n3A_40 = arith.select %and3A_38, %add3A_39, %rem3A_31 : i32
      %mul3A_41 = arith.constant 128 : i32
      %mul3A_42 = arith.muli %select_n3A_40, %mul3A_41 : i32
      %mul3A_43 = arith.constant 8192 : i32
      %mul3A_44 = arith.muli %add3A_10, %mul3A_43 : i32
      "tpu.region"() ({
        %run_scoped3A = tpu.sem_alloc : memref<!tpu.dma_semaphore, #tpu.memory_space<semaphore_mem>>
        %dma_start3A = tpu.memref_slice %arg2[%mul3A_44] : memref<2097152xf32, #tpu.memory_space<hbm>> -> memref<8192xf32, #tpu.memory_space<hbm>>
        %dma_start3A_51 = tpu.memref_slice %arg2[%mul3A_44] : memref<2097152xf32, #tpu.memory_space<hbm>> -> memref<8192xf32, #tpu.memory_space<hbm>>
        tpu.enqueue_dma source(%dma_start3A_51 : memref<8192xf32, #tpu.memory_space<hbm>>) target(%arg5 : memref<8192xf32, #tpu.memory_space<vmem>>) target_semaphore(%run_scoped3A : memref<!tpu.dma_semaphore, #tpu.memory_space<semaphore_mem>>)
        %dma_wait3A = tpu.memref_slice %arg2[%mul3A_44] : memref<2097152xf32, #tpu.memory_space<hbm>> -> memref<8192xf32, #tpu.memory_space<hbm>>
        %dma_wait3A_52 = tpu.memref_slice %arg2[%mul3A_44] : memref<2097152xf32, #tpu.memory_space<hbm>> -> memref<8192xf32, #tpu.memory_space<hbm>>
        tpu.wait_dma2 semaphore(%run_scoped3A : memref<!tpu.dma_semaphore, #tpu.memory_space<semaphore_mem>>) src(%dma_wait3A_52 : memref<8192xf32, #tpu.memory_space<hbm>>) dst(%arg5 : memref<8192xf32, #tpu.memory_space<vmem>>)
        tpu.yield
      }) : () -> ()
      %scan3A_45 = arith.constant 0 : i32
      %scan3A_46 = arith.constant 0 : i32
      %scan3A_47 = arith.constant 8 : i32
      %scan3A_48 = arith.addi %scan3A_46, %scan3A_47 : i32
      %scan3A_49 = arith.constant 1 : i32
      scf.for %scan3A_51 = %scan3A_46 to %scan3A_48 step %scan3A_49  : i32 {
        %mul3A_52 = arith.constant 16 : i32
        %mul3A_53 = arith.muli %scan3A_51, %mul3A_52 : i32
        %add3A_54 = vector.broadcast %mul3A_53 : i32 to vector<16xi32>
        %add3A_55 = arith.addi %add3A_54, %iota3A : vector<16xi32>
        %mul3A_56 = arith.constant 64 : i32
        %mul3A_57 = vector.broadcast %mul3A_56 : i32 to vector<16xi32>
        %mul3A_58 = arith.muli %add3A_55, %mul3A_57 : vector<16xi32>
        %parallel_loop3A = arith.constant 0 : i32
        %parallel_loop3A_59 = arith.constant 64 : i32
        %parallel_loop3A_60 = arith.constant 4 : i32
        %parallel_loop3A_61:8 = scf.for %parallel_loop3A_132 = %parallel_loop3A to %parallel_loop3A_59 step %parallel_loop3A_60 iter_args(%parallel_loop3A_133 = %broadcast_in_dim3A_3, %parallel_loop3A_134 = %broadcast_in_dim3A_3, %parallel_loop3A_135 = %broadcast_in_dim3A_3, %parallel_loop3A_136 = %broadcast_in_dim3A_3, %parallel_loop3A_137 = %broadcast_in_dim3A_3, %parallel_loop3A_138 = %broadcast_in_dim3A_3, %parallel_loop3A_139 = %broadcast_in_dim3A_3, %parallel_loop3A_140 = %broadcast_in_dim3A_3) -> (vector<16xf32>, vector<16xf32>, vector<16xf32>, vector<16xf32>, vector<16xf32>, vector<16xf32>, vector<16xf32>, vector<16xf32>)  : i32 {
          %parallel_loop3A_141 = arith.constant 0 : i32
          %parallel_loop3A_142 = arith.addi %parallel_loop3A_132, %parallel_loop3A_141 : i32
          %parallel_loop3A_143 = vector.broadcast %parallel_loop3A_142 : i32 to vector<16xi32>
          %parallel_loop3A_144 = arith.addi %mul3A_58, %parallel_loop3A_143 : vector<16xi32>
          %parallel_loop3A_145 = tpu.vector_load_idx %arg5[%parallel_loop3A_144] : memref<8192xf32, #tpu.memory_space<vmem>>[vector<16xi32>], vector<16xf32>,
          %parallel_loop3A_146 = arith.constant 0 : i32
          %parallel_loop3A_147 = arith.addi %parallel_loop3A_132, %parallel_loop3A_146 : i32
          %parallel_loop3A_148 = arith.constant 16 : i32
          %parallel_loop3A_149 = arith.muli %parallel_loop3A_147, %parallel_loop3A_148 : i32
          %parallel_loop3A_150 = arith.index_cast %parallel_loop3A_149 : i32 to index
          %parallel_loop3A_151 = tpu.vector_load %arg6[%parallel_loop3A_150] {strides = array<i32>} : memref<1024xf32, #tpu.memory_space<vmem>>, vector<16xf32>,
          tpu.vector_store %arg6[%parallel_loop3A_150], %parallel_loop3A_145 {strides = array<i32>} : memref<1024xf32, #tpu.memory_space<vmem>>, vector<16xf32>,
          %parallel_loop3A_152 = arith.constant 0 : i32
          %parallel_loop3A_153 = arith.addi %parallel_loop3A_132, %parallel_loop3A_152 : i32
          %parallel_loop3A_154 = arith.constant 16 : i32
          %parallel_loop3A_155 = arith.muli %scan3A_51, %parallel_loop3A_154 : i32
          %parallel_loop3A_156 = arith.index_cast %parallel_loop3A_153 : i32 to index
          %parallel_loop3A_157 = arith.index_cast %parallel_loop3A_155 : i32 to index
          %parallel_loop3A_158 = tpu.vector_load %arg7[%parallel_loop3A_156, %parallel_loop3A_157] {strides = array<i32>} : memref<64x128xf32, #tpu.memory_space<vmem>>, vector<16xf32>,
          tpu.vector_store %arg7[%parallel_loop3A_156, %parallel_loop3A_157], %parallel_loop3A_145 {strides = array<i32>} : memref<64x128xf32, #tpu.memory_space<vmem>>, vector<16xf32>,
          %parallel_loop3A_159 = arith.addf %parallel_loop3A_133, %parallel_loop3A_145 : vector<16xf32>
          %parallel_loop3A_160 = arith.mulf %parallel_loop3A_145, %parallel_loop3A_145 : vector<16xf32>
          %parallel_loop3A_161 = arith.addf %parallel_loop3A_137, %parallel_loop3A_160 : vector<16xf32>
          %parallel_loop3A_162 = arith.constant 1 : i32
          %parallel_loop3A_163 = arith.addi %parallel_loop3A_132, %parallel_loop3A_162 : i32
          %parallel_loop3A_164 = vector.broadcast %parallel_loop3A_163 : i32 to vector<16xi32>
          %parallel_loop3A_165 = arith.addi %mul3A_58, %parallel_loop3A_164 : vector<16xi32>
          %parallel_loop3A_166 = tpu.vector_load_idx %arg5[%parallel_loop3A_165] : memref<8192xf32, #tpu.memory_space<vmem>>[vector<16xi32>], vector<16xf32>,
          %parallel_loop3A_167 = arith.constant 1 : i32
          %parallel_loop3A_168 = arith.addi %parallel_loop3A_132, %parallel_loop3A_167 : i32
          %parallel_loop3A_169 = arith.constant 16 : i32
          %parallel_loop3A_170 = arith.muli %parallel_loop3A_168, %parallel_loop3A_169 : i32
          %parallel_loop3A_171 = arith.index_cast %parallel_loop3A_170 : i32 to index
          %parallel_loop3A_172 = tpu.vector_load %arg6[%parallel_loop3A_171] {strides = array<i32>} : memref<1024xf32, #tpu.memory_space<vmem>>, vector<16xf32>,
          tpu.vector_store %arg6[%parallel_loop3A_171], %parallel_loop3A_166 {strides = array<i32>} : memref<1024xf32, #tpu.memory_space<vmem>>, vector<16xf32>,
          %parallel_loop3A_173 = arith.constant 1 : i32
          %parallel_loop3A_174 = arith.addi %parallel_loop3A_132, %parallel_loop3A_173 : i32
          %parallel_loop3A_175 = arith.constant 16 : i32
          %parallel_loop3A_176 = arith.muli %scan3A_51, %parallel_loop3A_175 : i32
          %parallel_loop3A_177 = arith.index_cast %parallel_loop3A_174 : i32 to index
          %parallel_loop3A_178 = arith.index_cast %parallel_loop3A_176 : i32 to index
          %parallel_loop3A_179 = tpu.vector_load %arg7[%parallel_loop3A_177, %parallel_loop3A_178] {strides = array<i32>} : memref<64x128xf32, #tpu.memory_space<vmem>>, vector<16xf32>,
          tpu.vector_store %arg7[%parallel_loop3A_177, %parallel_loop3A_178], %parallel_loop3A_166 {strides = array<i32>} : memref<64x128xf32, #tpu.memory_space<vmem>>, vector<16xf32>,
          %parallel_loop3A_180 = arith.addf %parallel_loop3A_134, %parallel_loop3A_166 : vector<16xf32>
          %parallel_loop3A_181 = arith.mulf %parallel_loop3A_166, %parallel_loop3A_166 : vector<16xf32>
          %parallel_loop3A_182 = arith.addf %parallel_loop3A_138, %parallel_loop3A_181 : vector<16xf32>
          %parallel_loop3A_183 = arith.constant 2 : i32
          %parallel_loop3A_184 = arith.addi %parallel_loop3A_132, %parallel_loop3A_183 : i32
          %parallel_loop3A_185 = vector.broadcast %parallel_loop3A_184 : i32 to vector<16xi32>
          %parallel_loop3A_186 = arith.addi %mul3A_58, %parallel_loop3A_185 : vector<16xi32>
          %parallel_loop3A_187 = tpu.vector_load_idx %arg5[%parallel_loop3A_186] : memref<8192xf32, #tpu.memory_space<vmem>>[vector<16xi32>], vector<16xf32>,
          %parallel_loop3A_188 = arith.constant 2 : i32
          %parallel_loop3A_189 = arith.addi %parallel_loop3A_132, %parallel_loop3A_188 : i32
          %parallel_loop3A_190 = arith.constant 16 : i32
          %parallel_loop3A_191 = arith.muli %parallel_loop3A_189, %parallel_loop3A_190 : i32
          %parallel_loop3A_192 = arith.index_cast %parallel_loop3A_191 : i32 to index
          %parallel_loop3A_193 = tpu.vector_load %arg6[%parallel_loop3A_192] {strides = array<i32>} : memref<1024xf32, #tpu.memory_space<vmem>>, vector<16xf32>,
          tpu.vector_store %arg6[%parallel_loop3A_192], %parallel_loop3A_187 {strides = array<i32>} : memref<1024xf32, #tpu.memory_space<vmem>>, vector<16xf32>,
          %parallel_loop3A_194 = arith.constant 2 : i32
          %parallel_loop3A_195 = arith.addi %parallel_loop3A_132, %parallel_loop3A_194 : i32
          %parallel_loop3A_196 = arith.constant 16 : i32
          %parallel_loop3A_197 = arith.muli %scan3A_51, %parallel_loop3A_196 : i32
          %parallel_loop3A_198 = arith.index_cast %parallel_loop3A_195 : i32 to index
          %parallel_loop3A_199 = arith.index_cast %parallel_loop3A_197 : i32 to index
          %parallel_loop3A_200 = tpu.vector_load %arg7[%parallel_loop3A_198, %parallel_loop3A_199] {strides = array<i32>} : memref<64x128xf32, #tpu.memory_space<vmem>>, vector<16xf32>,
          tpu.vector_store %arg7[%parallel_loop3A_198, %parallel_loop3A_199], %parallel_loop3A_187 {strides = array<i32>} : memref<64x128xf32, #tpu.memory_space<vmem>>, vector<16xf32>,
          %parallel_loop3A_201 = arith.addf %parallel_loop3A_135, %parallel_loop3A_187 : vector<16xf32>
          %parallel_loop3A_202 = arith.mulf %parallel_loop3A_187, %parallel_loop3A_187 : vector<16xf32>
          %parallel_loop3A_203 = arith.addf %parallel_loop3A_139, %parallel_loop3A_202 : vector<16xf32>
          %parallel_loop3A_204 = arith.constant 3 : i32
          %parallel_loop3A_205 = arith.addi %parallel_loop3A_132, %parallel_loop3A_204 : i32
          %parallel_loop3A_206 = vector.broadcast %parallel_loop3A_205 : i32 to vector<16xi32>
          %parallel_loop3A_207 = arith.addi %mul3A_58, %parallel_loop3A_206 : vector<16xi32>
          %parallel_loop3A_208 = tpu.vector_load_idx %arg5[%parallel_loop3A_207] : memref<8192xf32, #tpu.memory_space<vmem>>[vector<16xi32>], vector<16xf32>,
          %parallel_loop3A_209 = arith.constant 3 : i32
          %parallel_loop3A_210 = arith.addi %parallel_loop3A_132, %parallel_loop3A_209 : i32
          %parallel_loop3A_211 = arith.constant 16 : i32
          %parallel_loop3A_212 = arith.muli %parallel_loop3A_210, %parallel_loop3A_211 : i32
          %parallel_loop3A_213 = arith.index_cast %parallel_loop3A_212 : i32 to index
          %parallel_loop3A_214 = tpu.vector_load %arg6[%parallel_loop3A_213] {strides = array<i32>} : memref<1024xf32, #tpu.memory_space<vmem>>, vector<16xf32>,
          tpu.vector_store %arg6[%parallel_loop3A_213], %parallel_loop3A_208 {strides = array<i32>} : memref<1024xf32, #tpu.memory_space<vmem>>, vector<16xf32>,
          %parallel_loop3A_215 = arith.constant 3 : i32
          %parallel_loop3A_216 = arith.addi %parallel_loop3A_132, %parallel_loop3A_215 : i32
          %parallel_loop3A_217 = arith.constant 16 : i32
          %parallel_loop3A_218 = arith.muli %scan3A_51, %parallel_loop3A_217 : i32
          %parallel_loop3A_219 = arith.index_cast %parallel_loop3A_216 : i32 to index
          %parallel_loop3A_220 = arith.index_cast %parallel_loop3A_218 : i32 to index
          %parallel_loop3A_221 = tpu.vector_load %arg7[%parallel_loop3A_219, %parallel_loop3A_220] {strides = array<i32>} : memref<64x128xf32, #tpu.memory_space<vmem>>, vector<16xf32>,
          tpu.vector_store %arg7[%parallel_loop3A_219, %parallel_loop3A_220], %parallel_loop3A_208 {strides = array<i32>} : memref<64x128xf32, #tpu.memory_space<vmem>>, vector<16xf32>,
          %parallel_loop3A_222 = arith.addf %parallel_loop3A_136, %parallel_loop3A_208 : vector<16xf32>
          %parallel_loop3A_223 = arith.mulf %parallel_loop3A_208, %parallel_loop3A_208 : vector<16xf32>
          %parallel_loop3A_224 = arith.addf %parallel_loop3A_140, %parallel_loop3A_223 : vector<16xf32>
          scf.yield %parallel_loop3A_159, %parallel_loop3A_180, %parallel_loop3A_201, %parallel_loop3A_222, %parallel_loop3A_161, %parallel_loop3A_182, %parallel_loop3A_203, %parallel_loop3A_224 : vector<16xf32>, vector<16xf32>, vector<16xf32>, vector<16xf32>, vector<16xf32>, vector<16xf32>, vector<16xf32>, vector<16xf32>
        } {sc.loop_unroll_factor = 4 : i64, sc.parallel_access}
        %scan3A_62 = arith.constant 0 : i32
        %scan3A_63 = arith.constant 7 : i32
        %scan3A_64 = arith.addi %scan3A_62, %scan3A_63 : i32
        %scan3A_65 = arith.constant 1 : i32
        %scan3A_66:8 = scf.for %scan3A_132 = %scan3A_62 to %scan3A_64 step %scan3A_65 iter_args(%scan3A_133 = %parallel_loop3A_61#0, %scan3A_134 = %parallel_loop3A_61#1, %scan3A_135 = %parallel_loop3A_61#2, %scan3A_136 = %parallel_loop3A_61#3, %scan3A_137 = %parallel_loop3A_61#4, %scan3A_138 = %parallel_loop3A_61#5, %scan3A_139 = %parallel_loop3A_61#6, %scan3A_140 = %parallel_loop3A_61#7) -> (vector<16xf32>, vector<16xf32>, vector<16xf32>, vector<16xf32>, vector<16xf32>, vector<16xf32>, vector<16xf32>, vector<16xf32>)  : i32 {
          %add3A_141 = arith.addf %scan3A_133, %scan3A_134 : vector<16xf32>
          %add3A_142 = arith.addf %scan3A_135, %scan3A_136 : vector<16xf32>
          %add3A_143 = arith.addf %add3A_141, %add3A_142 : vector<16xf32>
          %mul3A_144 = arith.constant 1.562500e-02 : f32
          %mul3A_145 = vector.broadcast %mul3A_144 : f32 to vector<16xf32>
          %mul3A_146 = arith.mulf %add3A_143, %mul3A_145 : vector<16xf32>
          %add3A_147 = arith.addf %scan3A_137, %scan3A_138 : vector<16xf32>
          %add3A_148 = arith.addf %scan3A_139, %scan3A_140 : vector<16xf32>
          %add3A_149 = arith.addf %add3A_147, %add3A_148 : vector<16xf32>
          %mul3A_150 = arith.constant 1.562500e-02 : f32
          %mul3A_151 = vector.broadcast %mul3A_150 : f32 to vector<16xf32>
          %mul3A_152 = arith.mulf %add3A_149, %mul3A_151 : vector<16xf32>
          %mul3A_153 = arith.mulf %mul3A_146, %mul3A_146 : vector<16xf32>
          %sub3A_154 = arith.subf %mul3A_152, %mul3A_153 : vector<16xf32>
          %mul3A_155 = arith.constant 1.01587307 : f32
          %mul3A_156 = vector.broadcast %mul3A_155 : f32 to vector<16xf32>
          %mul3A_157 = arith.mulf %sub3A_154, %mul3A_156 : vector<16xf32>
          %max3A_158 = arith.constant 1.000000e-30 : f32
          %max3A_159 = vector.broadcast %max3A_158 : f32 to vector<16xf32>
          %max3A_160 = arith.maximumf %mul3A_157, %max3A_159 : vector<16xf32>
          %bitcast_convert_type3A_161 = tpu.bitcast %max3A_160 : vector<16xf32> -> vector<16xi32>
          %shift_right_arithmetic3A_162 = arith.constant 1 : i32
          %shift_right_arithmetic3A_163 = vector.broadcast %shift_right_arithmetic3A_162 : i32 to vector<16xi32>
          %shift_right_arithmetic3A_164 = arith.shrsi %bitcast_convert_type3A_161, %shift_right_arithmetic3A_163 : vector<16xi32>
          %sub3A_165 = arith.constant 1597463007 : i32
          %sub3A_166 = vector.broadcast %sub3A_165 : i32 to vector<16xi32>
          %sub3A_167 = arith.subi %sub3A_166, %shift_right_arithmetic3A_164 : vector<16xi32>
          %bitcast_convert_type3A_168 = tpu.bitcast %sub3A_167 : vector<16xi32> -> vector<16xf32>
          %mul3A_169 = arith.constant 5.000000e-01 : f32
          %mul3A_170 = vector.broadcast %mul3A_169 : f32 to vector<16xf32>
          %mul3A_171 = arith.mulf %max3A_160, %mul3A_170 : vector<16xf32>
          %mul3A_172 = arith.mulf %mul3A_171, %bitcast_convert_type3A_168 : vector<16xf32>
          %mul3A_173 = arith.mulf %mul3A_172, %bitcast_convert_type3A_168 : vector<16xf32>
          %sub3A_174 = arith.constant 1.500000e+00 : f32
          %sub3A_175 = vector.broadcast %sub3A_174 : f32 to vector<16xf32>
          %sub3A_176 = arith.subf %sub3A_175, %mul3A_173 : vector<16xf32>
          %mul3A_177 = arith.mulf %bitcast_convert_type3A_168, %sub3A_176 : vector<16xf32>
          %mul3A_178 = arith.mulf %mul3A_171, %mul3A_177 : vector<16xf32>
          %mul3A_179 = arith.mulf %mul3A_178, %mul3A_177 : vector<16xf32>
          %sub3A_180 = arith.constant 1.500000e+00 : f32
          %sub3A_181 = vector.broadcast %sub3A_180 : f32 to vector<16xf32>
          %sub3A_182 = arith.subf %sub3A_181, %mul3A_179 : vector<16xf32>
          %mul3A_183 = arith.mulf %mul3A_177, %sub3A_182 : vector<16xf32>
          %mul3A_184 = arith.mulf %mul3A_171, %mul3A_183 : vector<16xf32>
          %mul3A_185 = arith.mulf %mul3A_184, %mul3A_183 : vector<16xf32>
          %sub3A_186 = arith.constant 1.500000e+00 : f32
          %sub3A_187 = vector.broadcast %sub3A_186 : f32 to vector<16xf32>
          %sub3A_188 = arith.subf %sub3A_187, %mul3A_185 : vector<16xf32>
          %mul3A_189 = arith.mulf %mul3A_183, %sub3A_188 : vector<16xf32>
          %mul3A_190 = arith.mulf %max3A_160, %mul3A_189 : vector<16xf32>
          %add3A_191 = arith.constant 9.99999974E-6 : f32
          %add3A_192 = vector.broadcast %add3A_191 : f32 to vector<16xf32>
          %add3A_193 = arith.addf %mul3A_190, %add3A_192 : vector<16xf32>
          %div3A_194 = arith.constant 3.000000e+00 : f32
          %div3A_195 = vector.broadcast %div3A_194 : f32 to vector<16xf32>
          %div3A_196 = arith.divf %div3A_195, %add3A_193 : vector<16xf32>
          %mul3A_197 = arith.mulf %mul3A_146, %div3A_196 : vector<16xf32>
          %sub3A_198 = arith.constant 3.500000e+00 : f32
          %sub3A_199 = vector.broadcast %sub3A_198 : f32 to vector<16xf32>
          %sub3A_200 = arith.subf %sub3A_199, %mul3A_197 : vector<16xf32>
          %mul3A_201 = arith.constant 0.333333343 : f32
          %mul3A_202 = vector.broadcast %mul3A_201 : f32 to vector<16xf32>
          %mul3A_203 = arith.mulf %mul3A_202, %add3A_193 : vector<16xf32>
          %sub3A_204 = arith.subf %mul3A_146, %add3A_193 : vector<16xf32>
          %parallel_loop3A_205 = arith.constant 0 : i32
          %parallel_loop3A_206 = arith.constant 64 : i32
          %parallel_loop3A_207 = arith.constant 4 : i32
          %parallel_loop3A_208:8 = scf.for %parallel_loop3A_209 = %parallel_loop3A_205 to %parallel_loop3A_206 step %parallel_loop3A_207 iter_args(%parallel_loop3A_210 = %broadcast_in_dim3A_3, %parallel_loop3A_211 = %broadcast_in_dim3A_3, %parallel_loop3A_212 = %broadcast_in_dim3A_3, %parallel_loop3A_213 = %broadcast_in_dim3A_3, %parallel_loop3A_214 = %broadcast_in_dim3A_3, %parallel_loop3A_215 = %broadcast_in_dim3A_3, %parallel_loop3A_216 = %broadcast_in_dim3A_3, %parallel_loop3A_217 = %broadcast_in_dim3A_3) -> (vector<16xf32>, vector<16xf32>, vector<16xf32>, vector<16xf32>, vector<16xf32>, vector<16xf32>, vector<16xf32>, vector<16xf32>)  : i32 {
            %parallel_loop3A_218 = arith.constant 0 : i32
            %parallel_loop3A_219 = arith.addi %parallel_loop3A_209, %parallel_loop3A_218 : i32
            %parallel_loop3A_220 = arith.constant 16 : i32
            %parallel_loop3A_221 = arith.muli %parallel_loop3A_219, %parallel_loop3A_220 : i32
            %parallel_loop3A_222 = arith.index_cast %parallel_loop3A_221 : i32 to index
            %parallel_loop3A_223 = tpu.vector_load %arg6[%parallel_loop3A_222] {strides = array<i32>} : memref<1024xf32, #tpu.memory_space<vmem>>, vector<16xf32>,
            %parallel_loop3A_224 = arith.mulf %parallel_loop3A_223, %div3A_196 : vector<16xf32>
            %parallel_loop3A_225 = arith.addf %parallel_loop3A_224, %sub3A_200 : vector<16xf32>
            %parallel_loop3A_226 = arith.fptosi %parallel_loop3A_225 : vector<16xf32> to vector<16xi32>
            %parallel_loop3A_227 = arith.constant 0 : i32
            %parallel_loop3A_228 = arith.constant 6 : i32
            %parallel_loop3A_229 = vector.broadcast %parallel_loop3A_227 : i32 to vector<16xi32>
            %parallel_loop3A_230 = arith.maxsi %parallel_loop3A_229, %parallel_loop3A_226 : vector<16xi32>
            %parallel_loop3A_231 = vector.broadcast %parallel_loop3A_228 : i32 to vector<16xi32>
            %parallel_loop3A_232 = arith.minsi %parallel_loop3A_231, %parallel_loop3A_230 : vector<16xi32>
            %parallel_loop3A_233 = arith.sitofp %parallel_loop3A_232 : vector<16xi32> to vector<16xf32>
            %parallel_loop3A_234 = arith.mulf %parallel_loop3A_233, %mul3A_203 : vector<16xf32>
            %parallel_loop3A_235 = arith.addf %parallel_loop3A_234, %sub3A_204 : vector<16xf32>
            %parallel_loop3A_236 = arith.subf %parallel_loop3A_223, %parallel_loop3A_235 : vector<16xf32>
            %parallel_loop3A_237 = arith.constant 0 : i32
            %parallel_loop3A_238 = arith.addi %parallel_loop3A_209, %parallel_loop3A_237 : i32
            %parallel_loop3A_239 = arith.constant 16 : i32
            %parallel_loop3A_240 = arith.muli %scan3A_51, %parallel_loop3A_239 : i32
            %parallel_loop3A_241 = arith.index_cast %parallel_loop3A_238 : i32 to index
            %parallel_loop3A_242 = arith.index_cast %scan3A_132 : i32 to index
            %parallel_loop3A_243 = arith.index_cast %parallel_loop3A_240 : i32 to index
            %parallel_loop3A_244 = tpu.vector_load %arg8[%parallel_loop3A_241, %parallel_loop3A_242, %parallel_loop3A_243] {strides = array<i32>} : memref<64x8x128xi32, #tpu.memory_space<vmem>>, vector<16xi32>,
            tpu.vector_store %arg8[%parallel_loop3A_241, %parallel_loop3A_242, %parallel_loop3A_243], %parallel_loop3A_232 {strides = array<i32>} : memref<64x8x128xi32, #tpu.memory_space<vmem>>, vector<16xi32>,
            %parallel_loop3A_245 = arith.constant 0 : i32
            %parallel_loop3A_246 = arith.addi %parallel_loop3A_209, %parallel_loop3A_245 : i32
            %parallel_loop3A_247 = arith.constant 16 : i32
            %parallel_loop3A_248 = arith.muli %parallel_loop3A_246, %parallel_loop3A_247 : i32
            %parallel_loop3A_249 = arith.index_cast %parallel_loop3A_248 : i32 to index
            %parallel_loop3A_250 = tpu.vector_load %arg6[%parallel_loop3A_249] {strides = array<i32>} : memref<1024xf32, #tpu.memory_space<vmem>>, vector<16xf32>,
            tpu.vector_store %arg6[%parallel_loop3A_249], %parallel_loop3A_236 {strides = array<i32>} : memref<1024xf32, #tpu.memory_space<vmem>>, vector<16xf32>,
            %parallel_loop3A_251 = arith.addf %parallel_loop3A_210, %parallel_loop3A_236 : vector<16xf32>
            %parallel_loop3A_252 = arith.mulf %parallel_loop3A_236, %parallel_loop3A_236 : vector<16xf32>
            %parallel_loop3A_253 = arith.addf %parallel_loop3A_214, %parallel_loop3A_252 : vector<16xf32>
            %parallel_loop3A_254 = arith.constant 1 : i32
            %parallel_loop3A_255 = arith.addi %parallel_loop3A_209, %parallel_loop3A_254 : i32
            %parallel_loop3A_256 = arith.constant 16 : i32
            %parallel_loop3A_257 = arith.muli %parallel_loop3A_255, %parallel_loop3A_256 : i32
            %parallel_loop3A_258 = arith.index_cast %parallel_loop3A_257 : i32 to index
            %parallel_loop3A_259 = tpu.vector_load %arg6[%parallel_loop3A_258] {strides = array<i32>} : memref<1024xf32, #tpu.memory_space<vmem>>, vector<16xf32>,
            %parallel_loop3A_260 = arith.mulf %parallel_loop3A_259, %div3A_196 : vector<16xf32>
            %parallel_loop3A_261 = arith.addf %parallel_loop3A_260, %sub3A_200 : vector<16xf32>
            %parallel_loop3A_262 = arith.fptosi %parallel_loop3A_261 : vector<16xf32> to vector<16xi32>
            %parallel_loop3A_263 = arith.constant 0 : i32
            %parallel_loop3A_264 = arith.constant 6 : i32
            %parallel_loop3A_265 = vector.broadcast %parallel_loop3A_263 : i32 to vector<16xi32>
            %parallel_loop3A_266 = arith.maxsi %parallel_loop3A_265, %parallel_loop3A_262 : vector<16xi32>
            %parallel_loop3A_267 = vector.broadcast %parallel_loop3A_264 : i32 to vector<16xi32>
            %parallel_loop3A_268 = arith.minsi %parallel_loop3A_267, %parallel_loop3A_266 : vector<16xi32>
            %parallel_loop3A_269 = arith.sitofp %parallel_loop3A_268 : vector<16xi32> to vector<16xf32>
            %parallel_loop3A_270 = arith.mulf %parallel_loop3A_269, %mul3A_203 : vector<16xf32>
            %parallel_loop3A_271 = arith.addf %parallel_loop3A_270, %sub3A_204 : vector<16xf32>
            %parallel_loop3A_272 = arith.subf %parallel_loop3A_259, %parallel_loop3A_271 : vector<16xf32>
            %parallel_loop3A_273 = arith.constant 1 : i32
            %parallel_loop3A_274 = arith.addi %parallel_loop3A_209, %parallel_loop3A_273 : i32
            %parallel_loop3A_275 = arith.constant 16 : i32
            %parallel_loop3A_276 = arith.muli %scan3A_51, %parallel_loop3A_275 : i32
            %parallel_loop3A_277 = arith.index_cast %parallel_loop3A_274 : i32 to index
            %parallel_loop3A_278 = arith.index_cast %scan3A_132 : i32 to index
            %parallel_loop3A_279 = arith.index_cast %parallel_loop3A_276 : i32 to index
            %parallel_loop3A_280 = tpu.vector_load %arg8[%parallel_loop3A_277, %parallel_loop3A_278, %parallel_loop3A_279] {strides = array<i32>} : memref<64x8x128xi32, #tpu.memory_space<vmem>>, vector<16xi32>,
            tpu.vector_store %arg8[%parallel_loop3A_277, %parallel_loop3A_278, %parallel_loop3A_279], %parallel_loop3A_268 {strides = array<i32>} : memref<64x8x128xi32, #tpu.memory_space<vmem>>, vector<16xi32>,
            %parallel_loop3A_281 = arith.constant 1 : i32
            %parallel_loop3A_282 = arith.addi %parallel_loop3A_209, %parallel_loop3A_281 : i32
            %parallel_loop3A_283 = arith.constant 16 : i32
            %parallel_loop3A_284 = arith.muli %parallel_loop3A_282, %parallel_loop3A_283 : i32
            %parallel_loop3A_285 = arith.index_cast %parallel_loop3A_284 : i32 to index
            %parallel_loop3A_286 = tpu.vector_load %arg6[%parallel_loop3A_285] {strides = array<i32>} : memref<1024xf32, #tpu.memory_space<vmem>>, vector<16xf32>,
            tpu.vector_store %arg6[%parallel_loop3A_285], %parallel_loop3A_272 {strides = array<i32>} : memref<1024xf32, #tpu.memory_space<vmem>>, vector<16xf32>,
            %parallel_loop3A_287 = arith.addf %parallel_loop3A_211, %parallel_loop3A_272 : vector<16xf32>
            %parallel_loop3A_288 = arith.mulf %parallel_loop3A_272, %parallel_loop3A_272 : vector<16xf32>
            %parallel_loop3A_289 = arith.addf %parallel_loop3A_215, %parallel_loop3A_288 : vector<16xf32>
            %parallel_loop3A_290 = arith.constant 2 : i32
            %parallel_loop3A_291 = arith.addi %parallel_loop3A_209, %parallel_loop3A_290 : i32
            %parallel_loop3A_292 = arith.constant 16 : i32
            %parallel_loop3A_293 = arith.muli %parallel_loop3A_291, %parallel_loop3A_292 : i32
            %parallel_loop3A_294 = arith.index_cast %parallel_loop3A_293 : i32 to index
            %parallel_loop3A_295 = tpu.vector_load %arg6[%parallel_loop3A_294] {strides = array<i32>} : memref<1024xf32, #tpu.memory_space<vmem>>, vector<16xf32>,
            %parallel_loop3A_296 = arith.mulf %parallel_loop3A_295, %div3A_196 : vector<16xf32>
            %parallel_loop3A_297 = arith.addf %parallel_loop3A_296, %sub3A_200 : vector<16xf32>
            %parallel_loop3A_298 = arith.fptosi %parallel_loop3A_297 : vector<16xf32> to vector<16xi32>
            %parallel_loop3A_299 = arith.constant 0 : i32
            %parallel_loop3A_300 = arith.constant 6 : i32
            %parallel_loop3A_301 = vector.broadcast %parallel_loop3A_299 : i32 to vector<16xi32>
            %parallel_loop3A_302 = arith.maxsi %parallel_loop3A_301, %parallel_loop3A_298 : vector<16xi32>
            %parallel_loop3A_303 = vector.broadcast %parallel_loop3A_300 : i32 to vector<16xi32>
            %parallel_loop3A_304 = arith.minsi %parallel_loop3A_303, %parallel_loop3A_302 : vector<16xi32>
            %parallel_loop3A_305 = arith.sitofp %parallel_loop3A_304 : vector<16xi32> to vector<16xf32>
            %parallel_loop3A_306 = arith.mulf %parallel_loop3A_305, %mul3A_203 : vector<16xf32>
            %parallel_loop3A_307 = arith.addf %parallel_loop3A_306, %sub3A_204 : vector<16xf32>
            %parallel_loop3A_308 = arith.subf %parallel_loop3A_295, %parallel_loop3A_307 : vector<16xf32>
            %parallel_loop3A_309 = arith.constant 2 : i32
            %parallel_loop3A_310 = arith.addi %parallel_loop3A_209, %parallel_loop3A_309 : i32
            %parallel_loop3A_311 = arith.constant 16 : i32
            %parallel_loop3A_312 = arith.muli %scan3A_51, %parallel_loop3A_311 : i32
            %parallel_loop3A_313 = arith.index_cast %parallel_loop3A_310 : i32 to index
            %parallel_loop3A_314 = arith.index_cast %scan3A_132 : i32 to index
            %parallel_loop3A_315 = arith.index_cast %parallel_loop3A_312 : i32 to index
            %parallel_loop3A_316 = tpu.vector_load %arg8[%parallel_loop3A_313, %parallel_loop3A_314, %parallel_loop3A_315] {strides = array<i32>} : memref<64x8x128xi32, #tpu.memory_space<vmem>>, vector<16xi32>,
            tpu.vector_store %arg8[%parallel_loop3A_313, %parallel_loop3A_314, %parallel_loop3A_315], %parallel_loop3A_304 {strides = array<i32>} : memref<64x8x128xi32, #tpu.memory_space<vmem>>, vector<16xi32>,
            %parallel_loop3A_317 = arith.constant 2 : i32
            %parallel_loop3A_318 = arith.addi %parallel_loop3A_209, %parallel_loop3A_317 : i32
            %parallel_loop3A_319 = arith.constant 16 : i32
            %parallel_loop3A_320 = arith.muli %parallel_loop3A_318, %parallel_loop3A_319 : i32
            %parallel_loop3A_321 = arith.index_cast %parallel_loop3A_320 : i32 to index
            %parallel_loop3A_322 = tpu.vector_load %arg6[%parallel_loop3A_321] {strides = array<i32>} : memref<1024xf32, #tpu.memory_space<vmem>>, vector<16xf32>,
            tpu.vector_store %arg6[%parallel_loop3A_321], %parallel_loop3A_308 {strides = array<i32>} : memref<1024xf32, #tpu.memory_space<vmem>>, vector<16xf32>,
            %parallel_loop3A_323 = arith.addf %parallel_loop3A_212, %parallel_loop3A_308 : vector<16xf32>
            %parallel_loop3A_324 = arith.mulf %parallel_loop3A_308, %parallel_loop3A_308 : vector<16xf32>
            %parallel_loop3A_325 = arith.addf %parallel_loop3A_216, %parallel_loop3A_324 : vector<16xf32>
            %parallel_loop3A_326 = arith.constant 3 : i32
            %parallel_loop3A_327 = arith.addi %parallel_loop3A_209, %parallel_loop3A_326 : i32
            %parallel_loop3A_328 = arith.constant 16 : i32
            %parallel_loop3A_329 = arith.muli %parallel_loop3A_327, %parallel_loop3A_328 : i32
            %parallel_loop3A_330 = arith.index_cast %parallel_loop3A_329 : i32 to index
            %parallel_loop3A_331 = tpu.vector_load %arg6[%parallel_loop3A_330] {strides = array<i32>} : memref<1024xf32, #tpu.memory_space<vmem>>, vector<16xf32>,
            %parallel_loop3A_332 = arith.mulf %parallel_loop3A_331, %div3A_196 : vector<16xf32>
            %parallel_loop3A_333 = arith.addf %parallel_loop3A_332, %sub3A_200 : vector<16xf32>
            %parallel_loop3A_334 = arith.fptosi %parallel_loop3A_333 : vector<16xf32> to vector<16xi32>
            %parallel_loop3A_335 = arith.constant 0 : i32
            %parallel_loop3A_336 = arith.constant 6 : i32
            %parallel_loop3A_337 = vector.broadcast %parallel_loop3A_335 : i32 to vector<16xi32>
            %parallel_loop3A_338 = arith.maxsi %parallel_loop3A_337, %parallel_loop3A_334 : vector<16xi32>
            %parallel_loop3A_339 = vector.broadcast %parallel_loop3A_336 : i32 to vector<16xi32>
            %parallel_loop3A_340 = arith.minsi %parallel_loop3A_339, %parallel_loop3A_338 : vector<16xi32>
            %parallel_loop3A_341 = arith.sitofp %parallel_loop3A_340 : vector<16xi32> to vector<16xf32>
            %parallel_loop3A_342 = arith.mulf %parallel_loop3A_341, %mul3A_203 : vector<16xf32>
            %parallel_loop3A_343 = arith.addf %parallel_loop3A_342, %sub3A_204 : vector<16xf32>
            %parallel_loop3A_344 = arith.subf %parallel_loop3A_331, %parallel_loop3A_343 : vector<16xf32>
            %parallel_loop3A_345 = arith.constant 3 : i32
            %parallel_loop3A_346 = arith.addi %parallel_loop3A_209, %parallel_loop3A_345 : i32
            %parallel_loop3A_347 = arith.constant 16 : i32
            %parallel_loop3A_348 = arith.muli %scan3A_51, %parallel_loop3A_347 : i32
            %parallel_loop3A_349 = arith.index_cast %parallel_loop3A_346 : i32 to index
            %parallel_loop3A_350 = arith.index_cast %scan3A_132 : i32 to index
            %parallel_loop3A_351 = arith.index_cast %parallel_loop3A_348 : i32 to index
            %parallel_loop3A_352 = tpu.vector_load %arg8[%parallel_loop3A_349, %parallel_loop3A_350, %parallel_loop3A_351] {strides = array<i32>} : memref<64x8x128xi32, #tpu.memory_space<vmem>>, vector<16xi32>,
            tpu.vector_store %arg8[%parallel_loop3A_349, %parallel_loop3A_350, %parallel_loop3A_351], %parallel_loop3A_340 {strides = array<i32>} : memref<64x8x128xi32, #tpu.memory_space<vmem>>, vector<16xi32>,
            %parallel_loop3A_353 = arith.constant 3 : i32
            %parallel_loop3A_354 = arith.addi %parallel_loop3A_209, %parallel_loop3A_353 : i32
            %parallel_loop3A_355 = arith.constant 16 : i32
            %parallel_loop3A_356 = arith.muli %parallel_loop3A_354, %parallel_loop3A_355 : i32
            %parallel_loop3A_357 = arith.index_cast %parallel_loop3A_356 : i32 to index
            %parallel_loop3A_358 = tpu.vector_load %arg6[%parallel_loop3A_357] {strides = array<i32>} : memref<1024xf32, #tpu.memory_space<vmem>>, vector<16xf32>,
            tpu.vector_store %arg6[%parallel_loop3A_357], %parallel_loop3A_344 {strides = array<i32>} : memref<1024xf32, #tpu.memory_space<vmem>>, vector<16xf32>,
            %parallel_loop3A_359 = arith.addf %parallel_loop3A_213, %parallel_loop3A_344 : vector<16xf32>
            %parallel_loop3A_360 = arith.mulf %parallel_loop3A_344, %parallel_loop3A_344 : vector<16xf32>
            %parallel_loop3A_361 = arith.addf %parallel_loop3A_217, %parallel_loop3A_360 : vector<16xf32>
            scf.yield %parallel_loop3A_251, %parallel_loop3A_287, %parallel_loop3A_323, %parallel_loop3A_359, %parallel_loop3A_253, %parallel_loop3A_289, %parallel_loop3A_325, %parallel_loop3A_361 : vector<16xf32>, vector<16xf32>, vector<16xf32>, vector<16xf32>, vector<16xf32>, vector<16xf32>, vector<16xf32>, vector<16xf32>
          } {sc.loop_unroll_factor = 4 : i64, sc.parallel_access}
          scf.yield %parallel_loop3A_208#0, %parallel_loop3A_208#1, %parallel_loop3A_208#2, %parallel_loop3A_208#3, %parallel_loop3A_208#4, %parallel_loop3A_208#5, %parallel_loop3A_208#6, %parallel_loop3A_208#7 : vector<16xf32>, vector<16xf32>, vector<16xf32>, vector<16xf32>, vector<16xf32>, vector<16xf32>, vector<16xf32>, vector<16xf32>
        }
        %scan3A_67 = arith.constant 7 : i32
        %add3A_68 = arith.addf %scan3A_66#0, %scan3A_66#1 : vector<16xf32>
        %add3A_69 = arith.addf %scan3A_66#2, %scan3A_66#3 : vector<16xf32>
        %add3A_70 = arith.addf %add3A_68, %add3A_69 : vector<16xf32>
        %mul3A_71 = arith.constant 1.562500e-02 : f32
        %mul3A_72 = vector.broadcast %mul3A_71 : f32 to vector<16xf32>
        %mul3A_73 = arith.mulf %add3A_70, %mul3A_72 : vector<16xf32>
        %add3A_74 = arith.addf %scan3A_66#4, %scan3A_66#5 : vector<16xf32>
        %add3A_75 = arith.addf %scan3A_66#6, %scan3A_66#7 : vector<16xf32>
        %add3A_76 = arith.addf %add3A_74, %add3A_75 : vector<16xf32>
        %mul3A_77 = arith.constant 1.562500e-02 : f32
        %mul3A_78 = vector.broadcast %mul3A_77 : f32 to vector<16xf32>
        %mul3A_79 = arith.mulf %add3A_76, %mul3A_78 : vector<16xf32>
        %mul3A_80 = arith.mulf %mul3A_73, %mul3A_73 : vector<16xf32>
        %sub3A_81 = arith.subf %mul3A_79, %mul3A_80 : vector<16xf32>
        %mul3A_82 = arith.constant 1.01587307 : f32
        %mul3A_83 = vector.broadcast %mul3A_82 : f32 to vector<16xf32>
        %mul3A_84 = arith.mulf %sub3A_81, %mul3A_83 : vector<16xf32>
        %max3A = arith.constant 1.000000e-30 : f32
        %max3A_85 = vector.broadcast %max3A : f32 to vector<16xf32>
        %max3A_86 = arith.maximumf %mul3A_84, %max3A_85 : vector<16xf32>
        %bitcast_convert_type3A = tpu.bitcast %max3A_86 : vector<16xf32> -> vector<16xi32>
        %shift_right_arithmetic3A = arith.constant 1 : i32
        %shift_right_arithmetic3A_87 = vector.broadcast %shift_right_arithmetic3A : i32 to vector<16xi32>
        %shift_right_arithmetic3A_88 = arith.shrsi %bitcast_convert_type3A, %shift_right_arithmetic3A_87 : vector<16xi32>
        %sub3A_89 = arith.constant 1597463007 : i32
        %sub3A_90 = vector.broadcast %sub3A_89 : i32 to vector<16xi32>
        %sub3A_91 = arith.subi %sub3A_90, %shift_right_arithmetic3A_88 : vector<16xi32>
        %bitcast_convert_type3A_92 = tpu.bitcast %sub3A_91 : vector<16xi32> -> vector<16xf32>
        %mul3A_93 = arith.constant 5.000000e-01 : f32
        %mul3A_94 = vector.broadcast %mul3A_93 : f32 to vector<16xf32>
        %mul3A_95 = arith.mulf %max3A_86, %mul3A_94 : vector<16xf32>
        %mul3A_96 = arith.mulf %mul3A_95, %bitcast_convert_type3A_92 : vector<16xf32>
        %mul3A_97 = arith.mulf %mul3A_96, %bitcast_convert_type3A_92 : vector<16xf32>
        %sub3A_98 = arith.constant 1.500000e+00 : f32
        %sub3A_99 = vector.broadcast %sub3A_98 : f32 to vector<16xf32>
        %sub3A_100 = arith.subf %sub3A_99, %mul3A_97 : vector<16xf32>
        %mul3A_101 = arith.mulf %bitcast_convert_type3A_92, %sub3A_100 : vector<16xf32>
        %mul3A_102 = arith.mulf %mul3A_95, %mul3A_101 : vector<16xf32>
        %mul3A_103 = arith.mulf %mul3A_102, %mul3A_101 : vector<16xf32>
        %sub3A_104 = arith.constant 1.500000e+00 : f32
        %sub3A_105 = vector.broadcast %sub3A_104 : f32 to vector<16xf32>
        %sub3A_106 = arith.subf %sub3A_105, %mul3A_103 : vector<16xf32>
        %mul3A_107 = arith.mulf %mul3A_101, %sub3A_106 : vector<16xf32>
        %mul3A_108 = arith.mulf %mul3A_95, %mul3A_107 : vector<16xf32>
        %mul3A_109 = arith.mulf %mul3A_108, %mul3A_107 : vector<16xf32>
        %sub3A_110 = arith.constant 1.500000e+00 : f32
        %sub3A_111 = vector.broadcast %sub3A_110 : f32 to vector<16xf32>
        %sub3A_112 = arith.subf %sub3A_111, %mul3A_109 : vector<16xf32>
        %mul3A_113 = arith.mulf %mul3A_107, %sub3A_112 : vector<16xf32>
        %mul3A_114 = arith.mulf %max3A_86, %mul3A_113 : vector<16xf32>
        %add3A_115 = arith.constant 9.99999974E-6 : f32
        %add3A_116 = vector.broadcast %add3A_115 : f32 to vector<16xf32>
        %add3A_117 = arith.addf %mul3A_114, %add3A_116 : vector<16xf32>
        %div3A_118 = arith.constant 3.000000e+00 : f32
        %div3A_119 = vector.broadcast %div3A_118 : f32 to vector<16xf32>
        %div3A_120 = arith.divf %div3A_119, %add3A_117 : vector<16xf32>
        %mul3A_121 = arith.mulf %mul3A_73, %div3A_120 : vector<16xf32>
        %sub3A_122 = arith.constant 3.500000e+00 : f32
        %sub3A_123 = vector.broadcast %sub3A_122 : f32 to vector<16xf32>
        %sub3A_124 = arith.subf %sub3A_123, %mul3A_121 : vector<16xf32>
        %mul3A_125 = arith.constant 0.333333343 : f32
        %mul3A_126 = vector.broadcast %mul3A_125 : f32 to vector<16xf32>
        %mul3A_127 = arith.mulf %mul3A_126, %add3A_117 : vector<16xf32>
        %sub3A_128 = arith.subf %mul3A_73, %add3A_117 : vector<16xf32>
        %parallel_loop3A_129 = arith.constant 0 : i32
        %parallel_loop3A_130 = arith.constant 64 : i32
        %parallel_loop3A_131 = arith.constant 4 : i32
        scf.for %parallel_loop3A_132 = %parallel_loop3A_129 to %parallel_loop3A_130 step %parallel_loop3A_131  : i32 {
          %parallel_loop3A_133 = arith.constant 0 : i32
          %parallel_loop3A_134 = arith.addi %parallel_loop3A_132, %parallel_loop3A_133 : i32
          %parallel_loop3A_135 = arith.constant 16 : i32
          %parallel_loop3A_136 = arith.muli %parallel_loop3A_134, %parallel_loop3A_135 : i32
          %parallel_loop3A_137 = arith.index_cast %parallel_loop3A_136 : i32 to index
          %parallel_loop3A_138 = tpu.vector_load %arg6[%parallel_loop3A_137] {strides = array<i32>} : memref<1024xf32, #tpu.memory_space<vmem>>, vector<16xf32>,
          %parallel_loop3A_139 = arith.mulf %parallel_loop3A_138, %div3A_120 : vector<16xf32>
          %parallel_loop3A_140 = arith.addf %parallel_loop3A_139, %sub3A_124 : vector<16xf32>
          %parallel_loop3A_141 = arith.fptosi %parallel_loop3A_140 : vector<16xf32> to vector<16xi32>
          %parallel_loop3A_142 = arith.constant 0 : i32
          %parallel_loop3A_143 = arith.constant 6 : i32
          %parallel_loop3A_144 = vector.broadcast %parallel_loop3A_142 : i32 to vector<16xi32>
          %parallel_loop3A_145 = arith.maxsi %parallel_loop3A_144, %parallel_loop3A_141 : vector<16xi32>
          %parallel_loop3A_146 = vector.broadcast %parallel_loop3A_143 : i32 to vector<16xi32>
          %parallel_loop3A_147 = arith.minsi %parallel_loop3A_146, %parallel_loop3A_145 : vector<16xi32>
          %parallel_loop3A_148 = arith.sitofp %parallel_loop3A_147 : vector<16xi32> to vector<16xf32>
          %parallel_loop3A_149 = arith.mulf %parallel_loop3A_148, %mul3A_127 : vector<16xf32>
          %parallel_loop3A_150 = arith.addf %parallel_loop3A_149, %sub3A_128 : vector<16xf32>
          %parallel_loop3A_151 = arith.subf %parallel_loop3A_138, %parallel_loop3A_150 : vector<16xf32>
          %parallel_loop3A_152 = arith.constant 0 : i32
          %parallel_loop3A_153 = arith.addi %parallel_loop3A_132, %parallel_loop3A_152 : i32
          %parallel_loop3A_154 = arith.constant 16 : i32
          %parallel_loop3A_155 = arith.muli %scan3A_51, %parallel_loop3A_154 : i32
          %parallel_loop3A_156 = arith.constant 7 : i32
          %parallel_loop3A_157 = arith.index_cast %parallel_loop3A_153 : i32 to index
          %parallel_loop3A_158 = arith.index_cast %parallel_loop3A_156 : i32 to index
          %parallel_loop3A_159 = arith.index_cast %parallel_loop3A_155 : i32 to index
          %parallel_loop3A_160 = tpu.vector_load %arg8[%parallel_loop3A_157, %parallel_loop3A_158, %parallel_loop3A_159] {strides = array<i32>} : memref<64x8x128xi32, #tpu.memory_space<vmem>>, vector<16xi32>,
          tpu.vector_store %arg8[%parallel_loop3A_157, %parallel_loop3A_158, %parallel_loop3A_159], %parallel_loop3A_147 {strides = array<i32>} : memref<64x8x128xi32, #tpu.memory_space<vmem>>, vector<16xi32>,
          %parallel_loop3A_161 = arith.constant 0 : i32
          %parallel_loop3A_162 = arith.addi %parallel_loop3A_132, %parallel_loop3A_161 : i32
          %parallel_loop3A_163 = arith.constant 16 : i32
          %parallel_loop3A_164 = arith.muli %scan3A_51, %parallel_loop3A_163 : i32
          %parallel_loop3A_165 = arith.index_cast %parallel_loop3A_162 : i32 to index
          %parallel_loop3A_166 = arith.index_cast %parallel_loop3A_164 : i32 to index
          %parallel_loop3A_167 = tpu.vector_load %arg7[%parallel_loop3A_165, %parallel_loop3A_166] {strides = array<i32>} : memref<64x128xf32, #tpu.memory_space<vmem>>, vector<16xf32>,
          %parallel_loop3A_168 = arith.subf %parallel_loop3A_167, %parallel_loop3A_151 : vector<16xf32>
          %parallel_loop3A_169 = arith.constant 0 : i32
          %parallel_loop3A_170 = arith.addi %parallel_loop3A_132, %parallel_loop3A_169 : i32
          %parallel_loop3A_171 = arith.constant 16 : i32
          %parallel_loop3A_172 = arith.muli %scan3A_51, %parallel_loop3A_171 : i32
          %parallel_loop3A_173 = arith.index_cast %parallel_loop3A_170 : i32 to index
          %parallel_loop3A_174 = arith.index_cast %parallel_loop3A_172 : i32 to index
          %parallel_loop3A_175 = tpu.vector_load %arg7[%parallel_loop3A_173, %parallel_loop3A_174] {strides = array<i32>} : memref<64x128xf32, #tpu.memory_space<vmem>>, vector<16xf32>,
          tpu.vector_store %arg7[%parallel_loop3A_173, %parallel_loop3A_174], %parallel_loop3A_168 {strides = array<i32>} : memref<64x128xf32, #tpu.memory_space<vmem>>, vector<16xf32>,
          %parallel_loop3A_176 = arith.constant 1 : i32
          %parallel_loop3A_177 = arith.addi %parallel_loop3A_132, %parallel_loop3A_176 : i32
          %parallel_loop3A_178 = arith.constant 16 : i32
          %parallel_loop3A_179 = arith.muli %parallel_loop3A_177, %parallel_loop3A_178 : i32
          %parallel_loop3A_180 = arith.index_cast %parallel_loop3A_179 : i32 to index
          %parallel_loop3A_181 = tpu.vector_load %arg6[%parallel_loop3A_180] {strides = array<i32>} : memref<1024xf32, #tpu.memory_space<vmem>>, vector<16xf32>,
          %parallel_loop3A_182 = arith.mulf %parallel_loop3A_181, %div3A_120 : vector<16xf32>
          %parallel_loop3A_183 = arith.addf %parallel_loop3A_182, %sub3A_124 : vector<16xf32>
          %parallel_loop3A_184 = arith.fptosi %parallel_loop3A_183 : vector<16xf32> to vector<16xi32>
          %parallel_loop3A_185 = arith.constant 0 : i32
          %parallel_loop3A_186 = arith.constant 6 : i32
          %parallel_loop3A_187 = vector.broadcast %parallel_loop3A_185 : i32 to vector<16xi32>
          %parallel_loop3A_188 = arith.maxsi %parallel_loop3A_187, %parallel_loop3A_184 : vector<16xi32>
          %parallel_loop3A_189 = vector.broadcast %parallel_loop3A_186 : i32 to vector<16xi32>
          %parallel_loop3A_190 = arith.minsi %parallel_loop3A_189, %parallel_loop3A_188 : vector<16xi32>
          %parallel_loop3A_191 = arith.sitofp %parallel_loop3A_190 : vector<16xi32> to vector<16xf32>
          %parallel_loop3A_192 = arith.mulf %parallel_loop3A_191, %mul3A_127 : vector<16xf32>
          %parallel_loop3A_193 = arith.addf %parallel_loop3A_192, %sub3A_128 : vector<16xf32>
          %parallel_loop3A_194 = arith.subf %parallel_loop3A_181, %parallel_loop3A_193 : vector<16xf32>
          %parallel_loop3A_195 = arith.constant 1 : i32
          %parallel_loop3A_196 = arith.addi %parallel_loop3A_132, %parallel_loop3A_195 : i32
          %parallel_loop3A_197 = arith.constant 16 : i32
          %parallel_loop3A_198 = arith.muli %scan3A_51, %parallel_loop3A_197 : i32
          %parallel_loop3A_199 = arith.constant 7 : i32
          %parallel_loop3A_200 = arith.index_cast %parallel_loop3A_196 : i32 to index
          %parallel_loop3A_201 = arith.index_cast %parallel_loop3A_199 : i32 to index
          %parallel_loop3A_202 = arith.index_cast %parallel_loop3A_198 : i32 to index
          %parallel_loop3A_203 = tpu.vector_load %arg8[%parallel_loop3A_200, %parallel_loop3A_201, %parallel_loop3A_202] {strides = array<i32>} : memref<64x8x128xi32, #tpu.memory_space<vmem>>, vector<16xi32>,
          tpu.vector_store %arg8[%parallel_loop3A_200, %parallel_loop3A_201, %parallel_loop3A_202], %parallel_loop3A_190 {strides = array<i32>} : memref<64x8x128xi32, #tpu.memory_space<vmem>>, vector<16xi32>,
          %parallel_loop3A_204 = arith.constant 1 : i32
          %parallel_loop3A_205 = arith.addi %parallel_loop3A_132, %parallel_loop3A_204 : i32
          %parallel_loop3A_206 = arith.constant 16 : i32
          %parallel_loop3A_207 = arith.muli %scan3A_51, %parallel_loop3A_206 : i32
          %parallel_loop3A_208 = arith.index_cast %parallel_loop3A_205 : i32 to index
          %parallel_loop3A_209 = arith.index_cast %parallel_loop3A_207 : i32 to index
          %parallel_loop3A_210 = tpu.vector_load %arg7[%parallel_loop3A_208, %parallel_loop3A_209] {strides = array<i32>} : memref<64x128xf32, #tpu.memory_space<vmem>>, vector<16xf32>,
          %parallel_loop3A_211 = arith.subf %parallel_loop3A_210, %parallel_loop3A_194 : vector<16xf32>
          %parallel_loop3A_212 = arith.constant 1 : i32
          %parallel_loop3A_213 = arith.addi %parallel_loop3A_132, %parallel_loop3A_212 : i32
          %parallel_loop3A_214 = arith.constant 16 : i32
          %parallel_loop3A_215 = arith.muli %scan3A_51, %parallel_loop3A_214 : i32
          %parallel_loop3A_216 = arith.index_cast %parallel_loop3A_213 : i32 to index
          %parallel_loop3A_217 = arith.index_cast %parallel_loop3A_215 : i32 to index
          %parallel_loop3A_218 = tpu.vector_load %arg7[%parallel_loop3A_216, %parallel_loop3A_217] {strides = array<i32>} : memref<64x128xf32, #tpu.memory_space<vmem>>, vector<16xf32>,
          tpu.vector_store %arg7[%parallel_loop3A_216, %parallel_loop3A_217], %parallel_loop3A_211 {strides = array<i32>} : memref<64x128xf32, #tpu.memory_space<vmem>>, vector<16xf32>,
          %parallel_loop3A_219 = arith.constant 2 : i32
          %parallel_loop3A_220 = arith.addi %parallel_loop3A_132, %parallel_loop3A_219 : i32
          %parallel_loop3A_221 = arith.constant 16 : i32
          %parallel_loop3A_222 = arith.muli %parallel_loop3A_220, %parallel_loop3A_221 : i32
          %parallel_loop3A_223 = arith.index_cast %parallel_loop3A_222 : i32 to index
          %parallel_loop3A_224 = tpu.vector_load %arg6[%parallel_loop3A_223] {strides = array<i32>} : memref<1024xf32, #tpu.memory_space<vmem>>, vector<16xf32>,
          %parallel_loop3A_225 = arith.mulf %parallel_loop3A_224, %div3A_120 : vector<16xf32>
          %parallel_loop3A_226 = arith.addf %parallel_loop3A_225, %sub3A_124 : vector<16xf32>
          %parallel_loop3A_227 = arith.fptosi %parallel_loop3A_226 : vector<16xf32> to vector<16xi32>
          %parallel_loop3A_228 = arith.constant 0 : i32
          %parallel_loop3A_229 = arith.constant 6 : i32
          %parallel_loop3A_230 = vector.broadcast %parallel_loop3A_228 : i32 to vector<16xi32>
          %parallel_loop3A_231 = arith.maxsi %parallel_loop3A_230, %parallel_loop3A_227 : vector<16xi32>
          %parallel_loop3A_232 = vector.broadcast %parallel_loop3A_229 : i32 to vector<16xi32>
          %parallel_loop3A_233 = arith.minsi %parallel_loop3A_232, %parallel_loop3A_231 : vector<16xi32>
          %parallel_loop3A_234 = arith.sitofp %parallel_loop3A_233 : vector<16xi32> to vector<16xf32>
          %parallel_loop3A_235 = arith.mulf %parallel_loop3A_234, %mul3A_127 : vector<16xf32>
          %parallel_loop3A_236 = arith.addf %parallel_loop3A_235, %sub3A_128 : vector<16xf32>
          %parallel_loop3A_237 = arith.subf %parallel_loop3A_224, %parallel_loop3A_236 : vector<16xf32>
          %parallel_loop3A_238 = arith.constant 2 : i32
          %parallel_loop3A_239 = arith.addi %parallel_loop3A_132, %parallel_loop3A_238 : i32
          %parallel_loop3A_240 = arith.constant 16 : i32
          %parallel_loop3A_241 = arith.muli %scan3A_51, %parallel_loop3A_240 : i32
          %parallel_loop3A_242 = arith.constant 7 : i32
          %parallel_loop3A_243 = arith.index_cast %parallel_loop3A_239 : i32 to index
          %parallel_loop3A_244 = arith.index_cast %parallel_loop3A_242 : i32 to index
          %parallel_loop3A_245 = arith.index_cast %parallel_loop3A_241 : i32 to index
          %parallel_loop3A_246 = tpu.vector_load %arg8[%parallel_loop3A_243, %parallel_loop3A_244, %parallel_loop3A_245] {strides = array<i32>} : memref<64x8x128xi32, #tpu.memory_space<vmem>>, vector<16xi32>,
          tpu.vector_store %arg8[%parallel_loop3A_243, %parallel_loop3A_244, %parallel_loop3A_245], %parallel_loop3A_233 {strides = array<i32>} : memref<64x8x128xi32, #tpu.memory_space<vmem>>, vector<16xi32>,
          %parallel_loop3A_247 = arith.constant 2 : i32
          %parallel_loop3A_248 = arith.addi %parallel_loop3A_132, %parallel_loop3A_247 : i32
          %parallel_loop3A_249 = arith.constant 16 : i32
          %parallel_loop3A_250 = arith.muli %scan3A_51, %parallel_loop3A_249 : i32
          %parallel_loop3A_251 = arith.index_cast %parallel_loop3A_248 : i32 to index
          %parallel_loop3A_252 = arith.index_cast %parallel_loop3A_250 : i32 to index
          %parallel_loop3A_253 = tpu.vector_load %arg7[%parallel_loop3A_251, %parallel_loop3A_252] {strides = array<i32>} : memref<64x128xf32, #tpu.memory_space<vmem>>, vector<16xf32>,
          %parallel_loop3A_254 = arith.subf %parallel_loop3A_253, %parallel_loop3A_237 : vector<16xf32>
          %parallel_loop3A_255 = arith.constant 2 : i32
          %parallel_loop3A_256 = arith.addi %parallel_loop3A_132, %parallel_loop3A_255 : i32
          %parallel_loop3A_257 = arith.constant 16 : i32
          %parallel_loop3A_258 = arith.muli %scan3A_51, %parallel_loop3A_257 : i32
          %parallel_loop3A_259 = arith.index_cast %parallel_loop3A_256 : i32 to index
          %parallel_loop3A_260 = arith.index_cast %parallel_loop3A_258 : i32 to index
          %parallel_loop3A_261 = tpu.vector_load %arg7[%parallel_loop3A_259, %parallel_loop3A_260] {strides = array<i32>} : memref<64x128xf32, #tpu.memory_space<vmem>>, vector<16xf32>,
          tpu.vector_store %arg7[%parallel_loop3A_259, %parallel_loop3A_260], %parallel_loop3A_254 {strides = array<i32>} : memref<64x128xf32, #tpu.memory_space<vmem>>, vector<16xf32>,
          %parallel_loop3A_262 = arith.constant 3 : i32
          %parallel_loop3A_263 = arith.addi %parallel_loop3A_132, %parallel_loop3A_262 : i32
          %parallel_loop3A_264 = arith.constant 16 : i32
          %parallel_loop3A_265 = arith.muli %parallel_loop3A_263, %parallel_loop3A_264 : i32
          %parallel_loop3A_266 = arith.index_cast %parallel_loop3A_265 : i32 to index
          %parallel_loop3A_267 = tpu.vector_load %arg6[%parallel_loop3A_266] {strides = array<i32>} : memref<1024xf32, #tpu.memory_space<vmem>>, vector<16xf32>,
          %parallel_loop3A_268 = arith.mulf %parallel_loop3A_267, %div3A_120 : vector<16xf32>
          %parallel_loop3A_269 = arith.addf %parallel_loop3A_268, %sub3A_124 : vector<16xf32>
          %parallel_loop3A_270 = arith.fptosi %parallel_loop3A_269 : vector<16xf32> to vector<16xi32>
          %parallel_loop3A_271 = arith.constant 0 : i32
          %parallel_loop3A_272 = arith.constant 6 : i32
          %parallel_loop3A_273 = vector.broadcast %parallel_loop3A_271 : i32 to vector<16xi32>
          %parallel_loop3A_274 = arith.maxsi %parallel_loop3A_273, %parallel_loop3A_270 : vector<16xi32>
          %parallel_loop3A_275 = vector.broadcast %parallel_loop3A_272 : i32 to vector<16xi32>
          %parallel_loop3A_276 = arith.minsi %parallel_loop3A_275, %parallel_loop3A_274 : vector<16xi32>
          %parallel_loop3A_277 = arith.sitofp %parallel_loop3A_276 : vector<16xi32> to vector<16xf32>
          %parallel_loop3A_278 = arith.mulf %parallel_loop3A_277, %mul3A_127 : vector<16xf32>
          %parallel_loop3A_279 = arith.addf %parallel_loop3A_278, %sub3A_128 : vector<16xf32>
          %parallel_loop3A_280 = arith.subf %parallel_loop3A_267, %parallel_loop3A_279 : vector<16xf32>
          %parallel_loop3A_281 = arith.constant 3 : i32
          %parallel_loop3A_282 = arith.addi %parallel_loop3A_132, %parallel_loop3A_281 : i32
          %parallel_loop3A_283 = arith.constant 16 : i32
          %parallel_loop3A_284 = arith.muli %scan3A_51, %parallel_loop3A_283 : i32
          %parallel_loop3A_285 = arith.constant 7 : i32
          %parallel_loop3A_286 = arith.index_cast %parallel_loop3A_282 : i32 to index
          %parallel_loop3A_287 = arith.index_cast %parallel_loop3A_285 : i32 to index
          %parallel_loop3A_288 = arith.index_cast %parallel_loop3A_284 : i32 to index
          %parallel_loop3A_289 = tpu.vector_load %arg8[%parallel_loop3A_286, %parallel_loop3A_287, %parallel_loop3A_288] {strides = array<i32>} : memref<64x8x128xi32, #tpu.memory_space<vmem>>, vector<16xi32>,
          tpu.vector_store %arg8[%parallel_loop3A_286, %parallel_loop3A_287, %parallel_loop3A_288], %parallel_loop3A_276 {strides = array<i32>} : memref<64x8x128xi32, #tpu.memory_space<vmem>>, vector<16xi32>,
          %parallel_loop3A_290 = arith.constant 3 : i32
          %parallel_loop3A_291 = arith.addi %parallel_loop3A_132, %parallel_loop3A_290 : i32
          %parallel_loop3A_292 = arith.constant 16 : i32
          %parallel_loop3A_293 = arith.muli %scan3A_51, %parallel_loop3A_292 : i32
          %parallel_loop3A_294 = arith.index_cast %parallel_loop3A_291 : i32 to index
          %parallel_loop3A_295 = arith.index_cast %parallel_loop3A_293 : i32 to index
          %parallel_loop3A_296 = tpu.vector_load %arg7[%parallel_loop3A_294, %parallel_loop3A_295] {strides = array<i32>} : memref<64x128xf32, #tpu.memory_space<vmem>>, vector<16xf32>,
          %parallel_loop3A_297 = arith.subf %parallel_loop3A_296, %parallel_loop3A_280 : vector<16xf32>
          %parallel_loop3A_298 = arith.constant 3 : i32
          %parallel_loop3A_299 = arith.addi %parallel_loop3A_132, %parallel_loop3A_298 : i32
          %parallel_loop3A_300 = arith.constant 16 : i32
          %parallel_loop3A_301 = arith.muli %scan3A_51, %parallel_loop3A_300 : i32
          %parallel_loop3A_302 = arith.index_cast %parallel_loop3A_299 : i32 to index
          %parallel_loop3A_303 = arith.index_cast %parallel_loop3A_301 : i32 to index
          %parallel_loop3A_304 = tpu.vector_load %arg7[%parallel_loop3A_302, %parallel_loop3A_303] {strides = array<i32>} : memref<64x128xf32, #tpu.memory_space<vmem>>, vector<16xf32>,
          tpu.vector_store %arg7[%parallel_loop3A_302, %parallel_loop3A_303], %parallel_loop3A_297 {strides = array<i32>} : memref<64x128xf32, #tpu.memory_space<vmem>>, vector<16xf32>,
        } {sc.loop_unroll_factor = 4 : i64, sc.parallel_access}
      }
      %scan3A_50 = arith.constant 8 : i32
      "tpu.region"() ({
        %run_scoped3A = tpu.sem_alloc : memref<!tpu.dma_semaphore, #tpu.memory_space<semaphore_mem>>
        %dma_start3A = arith.constant 0 : i32
        %dma_start3A_51 = tpu.memref_slice %arg3[%select_n3A, %dma_start3A, %mul3A_42] : memref<32x64x1024xf32, #tpu.memory_space<hbm>> -> memref<1x64x128xf32, #tpu.memory_space<hbm>>
        %dma_start3A_52 = tpu.memref_squeeze %dma_start3A_51 : memref<1x64x128xf32, #tpu.memory_space<hbm>> -> memref<64x128xf32, #tpu.memory_space<hbm>>
        %dma_start3A_53 = arith.constant 0 : i32
        %dma_start3A_54 = tpu.memref_slice %arg3[%select_n3A, %dma_start3A_53, %mul3A_42] : memref<32x64x1024xf32, #tpu.memory_space<hbm>> -> memref<1x64x128xf32, #tpu.memory_space<hbm>>
        %dma_start3A_55 = tpu.memref_squeeze %dma_start3A_54 : memref<1x64x128xf32, #tpu.memory_space<hbm>> -> memref<64x128xf32, #tpu.memory_space<hbm>>
        tpu.enqueue_dma source(%arg7 : memref<64x128xf32, #tpu.memory_space<vmem>>) target(%dma_start3A_55 : memref<64x128xf32, #tpu.memory_space<hbm>>) target_semaphore(%run_scoped3A : memref<!tpu.dma_semaphore, #tpu.memory_space<semaphore_mem>>)
        %dma_wait3A = arith.constant 0 : i32
        %dma_wait3A_56 = tpu.memref_slice %arg3[%select_n3A, %dma_wait3A, %mul3A_42] : memref<32x64x1024xf32, #tpu.memory_space<hbm>> -> memref<1x64x128xf32, #tpu.memory_space<hbm>>
        %dma_wait3A_57 = tpu.memref_squeeze %dma_wait3A_56 : memref<1x64x128xf32, #tpu.memory_space<hbm>> -> memref<64x128xf32, #tpu.memory_space<hbm>>
        %dma_wait3A_58 = arith.constant 0 : i32
        %dma_wait3A_59 = tpu.memref_slice %arg3[%select_n3A, %dma_wait3A_58, %mul3A_42] : memref<32x64x1024xf32, #tpu.memory_space<hbm>> -> memref<1x64x128xf32, #tpu.memory_space<hbm>>
        %dma_wait3A_60 = tpu.memref_squeeze %dma_wait3A_59 : memref<1x64x128xf32, #tpu.memory_space<hbm>> -> memref<64x128xf32, #tpu.memory_space<hbm>>
        tpu.wait_dma2 semaphore(%run_scoped3A : memref<!tpu.dma_semaphore, #tpu.memory_space<semaphore_mem>>) src(%arg7 : memref<64x128xf32, #tpu.memory_space<vmem>>) dst(%dma_wait3A_60 : memref<64x128xf32, #tpu.memory_space<hbm>>)
        tpu.yield
      }) : () -> ()
      "tpu.region"() ({
        %run_scoped3A = tpu.sem_alloc : memref<!tpu.dma_semaphore, #tpu.memory_space<semaphore_mem>>
        %dma_start3A = arith.constant 0 : i32
        %dma_start3A_51 = arith.constant 0 : i32
        %dma_start3A_52 = tpu.memref_slice %arg4[%select_n3A, %dma_start3A, %dma_start3A_51, %mul3A_42] : memref<32x64x8x1024xi32, #tpu.memory_space<hbm>> -> memref<1x64x8x128xi32, #tpu.memory_space<hbm>>
        %dma_start3A_53 = tpu.memref_squeeze %dma_start3A_52 : memref<1x64x8x128xi32, #tpu.memory_space<hbm>> -> memref<64x8x128xi32, #tpu.memory_space<hbm>>
        %dma_start3A_54 = arith.constant 0 : i32
        %dma_start3A_55 = arith.constant 0 : i32
        %dma_start3A_56 = tpu.memref_slice %arg4[%select_n3A, %dma_start3A_54, %dma_start3A_55, %mul3A_42] : memref<32x64x8x1024xi32, #tpu.memory_space<hbm>> -> memref<1x64x8x128xi32, #tpu.memory_space<hbm>>
        %dma_start3A_57 = tpu.memref_squeeze %dma_start3A_56 : memref<1x64x8x128xi32, #tpu.memory_space<hbm>> -> memref<64x8x128xi32, #tpu.memory_space<hbm>>
        tpu.enqueue_dma source(%arg8 : memref<64x8x128xi32, #tpu.memory_space<vmem>>) target(%dma_start3A_57 : memref<64x8x128xi32, #tpu.memory_space<hbm>>) target_semaphore(%run_scoped3A : memref<!tpu.dma_semaphore, #tpu.memory_space<semaphore_mem>>)
        %dma_wait3A = arith.constant 0 : i32
        %dma_wait3A_58 = arith.constant 0 : i32
        %dma_wait3A_59 = tpu.memref_slice %arg4[%select_n3A, %dma_wait3A, %dma_wait3A_58, %mul3A_42] : memref<32x64x8x1024xi32, #tpu.memory_space<hbm>> -> memref<1x64x8x128xi32, #tpu.memory_space<hbm>>
        %dma_wait3A_60 = tpu.memref_squeeze %dma_wait3A_59 : memref<1x64x8x128xi32, #tpu.memory_space<hbm>> -> memref<64x8x128xi32, #tpu.memory_space<hbm>>
        %dma_wait3A_61 = arith.constant 0 : i32
        %dma_wait3A_62 = arith.constant 0 : i32
        %dma_wait3A_63 = tpu.memref_slice %arg4[%select_n3A, %dma_wait3A_61, %dma_wait3A_62, %mul3A_42] : memref<32x64x8x1024xi32, #tpu.memory_space<hbm>> -> memref<1x64x8x128xi32, #tpu.memory_space<hbm>>
        %dma_wait3A_64 = tpu.memref_squeeze %dma_wait3A_63 : memref<1x64x8x128xi32, #tpu.memory_space<hbm>> -> memref<64x8x128xi32, #tpu.memory_space<hbm>>
        tpu.wait_dma2 semaphore(%run_scoped3A : memref<!tpu.dma_semaphore, #tpu.memory_space<semaphore_mem>>) src(%arg8 : memref<64x8x128xi32, #tpu.memory_space<vmem>>) dst(%dma_wait3A_64 : memref<64x8x128xi32, #tpu.memory_space<hbm>>)
        tpu.yield
      }) : () -> ()
    }
    %scan3A_8 = arith.constant 8 : i32
    return
  }
}

</mosaic_0001>

<sc_bundles>
// kernel: kernel.3.cloned.1.call-start
scs
__scs_entry_jumppad:
0x0: {  	(pc) =	sbr.rel $0x88, $3  }
0x1: {  	(tag) =	ssettag $0x0;
	lr =	simm.s32 $0x1  }
0x2: {  	[smem:$0x3FA0] =	sst lr;
	_ =	strace $0xD0000000  }
0x3: {  	_ = 	snop  }
0x4: {  	_ = 	snop  }
0x5: {  	_ = 	snop  }
0x6: {  	_ = 	snop  }
0x7: {  	_ = 	snop  }
__scs_overlays_trampoline_lowered:
0x8: {  	[smem:$0x3FAF] =	sst s0  }
0x9: {  	[smem:$0x3FB0] =	sst s1  }
0xa: {  	[smem:$0x3FB1] =	sst s2  }
0xb: {  	[smem:$0x3FB2] =	sst s3  }
0xc: {  	[smem:$0x3FB3] =	sst s4  }
0xd: {  	[smem:$0x3FB4] =	sst s5  }
0xe: {  	[smem:$0x3FB5] =	sst s6  }
0xf: {  	[smem:$0x3FB6] =	sst s7  }
0x10: {  	[smem:$0x3FB7] =	sst s8  }
0x11: {  	[smem:$0x3FB8] =	sst s9;
	s0 =	simm.s32 @!p0 $0x0  }
0x12: {  	s1 =	sld [smem:$0x3F9E];
	s0 =	simm.s32 @p0 $0x1  }
0x13: {  	[smem:$0x3FB9] =	sst s0;
	s0 =	simm.s32 @!p1 $0x0  }
0x14: {  	s2 =	sld [smem:$0x3F9D];
	s0 =	simm.s32 @p1 $0x1  }
0x15: {  	[smem:$0x3FBA] =	sst s0;
	s0 =	simm.s32 @!p2 $0x0  }
0x16: {  	s3 =	sld [smem:$0x3FDB];
	s0 =	simm.s32 @p2 $0x1  }
0x17: {  	s4 =	simm.s32 $0x1BF5;
	[smem:$0x3FBC] =	sst s0  }
0x18: {  	s0 =	sld [smem:$0x3F9F];
	_ =	swait.ge [sflag:s4], $0x0  }
0x19: {  	s7 =	sld [smem:$0x3FA0]  }
0x1a: {  	s8 =	sadd.s32 $0xFFFFE003, lr  }
0x1b: {  	s9 =	sadd.s32 $0xFFFFFEF7, lr;
	s5 =	simm.s32 $0xFFFFFFFF;
	p2 =	slt.u32 s8, $0xFFFFF086  }
0x1c: {  	p1 =	slt.u32 s9, $0xF7A;
	s5 =	simm.s32 @!p2 $0x0  }
0x1d: {  	s5 =	simm.s32 @p1 $0x1;
	p0 =	seq.s32 s7, s2  }
0x1e: {  	s7 =	smul.u32 @!p0 $0xF7A, s2;
	p2 =	seq.s32 @!p0 s5, $0x0  }
0x1f: {  	s9 =	smul.u32 $0xF7A, s1;
	s8 =	simm.s32 @!p0 $0x1BF5;
	p2 =	por !p2, p0  }
0x20: {  	[sflag:s8] =	ssyncset.s32 @!p0 $0xFFFFF086;
	s6 =	sadd.s32 @!p0 s3, s7;
	s7 =	simm.s32 @!p0 $0x108  }
0x21: {  	s3 =	sadd.s32 s3, s9;
	s6 =	sadd.s32 @!p0 $0x88, s6;
	s7 =	simm.s32 @p2 $0x1082  }
0x22: {  	[simem:s7], [sflag:s8] =	dma.local @!p0 [hbm:s6], $0xF7A  }
0x23: {  	s9 =	sor.u32 $0xD0000000, s2;
	s6 =	simm.s32 $0x108;
	_ =	swait.ge @!p0 [sflag:s8], $0x0  }
0x24: {  	s3 =	sadd.s32 $0x88, s3;
	s6 =	simm.s32 @!p1 $0x1082;
	[sflag:s4] =	ssyncset.s32 $0xFFFFF086  }
0x25: {  	[simem:s6], [sflag:s4] =	dma.local [hbm:s3], $0xF7A  }
0x26: {  	[smem:$0x3FA0] =	sst s1;
	(tag) =	ssettag s2;
	_ =	strace s9  }
0x27: {  	s1 =	sld [smem:$0x3FB0]  }
0x28: {  	s2 =	sld [smem:$0x3FB1]  }
0x29: {  	s4 =	sld [smem:$0x3FB3]  }
0x2a: {  	p0 =	seq.s32 s5, $0x0;
	s5 =	sld [smem:$0x3FB4]  }
0x2b: {  	s6 =	sld [smem:$0x3FB5]  }
0x2c: {  	s7 =	sld [smem:$0x3FB6]  }
0x2d: {  	s3 =	simm.s32 $0x108;
	s8 =	sld [smem:$0x3FB7]  }
0x2e: {  	s3 =	simm.s32 @!p0 $0x1082;
	s9 =	sld [smem:$0x3FB8]  }
0x2f: {  	lr =	sadd.s32 s0, s3;
	s0 =	sld [smem:$0x3FAF]  }
0x30: {  	s3 =	sld [smem:$0x3FB2]  }
0x31: {  	[smem:$0x3FBB] =	sst s10  }
0x32: {  	s10 =	sld [smem:$0x3FB9];
	_ =	sdelay $0x3  }
0x33: {  	p0 =	seq.s32 s10, $0x1;
	s10 =	sld [smem:$0x3FBB];
	_ =	sdelay $0x3  }
0x34: {  	[smem:$0x3FBB] =	sst s10  }
0x35: {  	s10 =	sld [smem:$0x3FBA];
	_ =	sdelay $0x3  }
0x36: {  	p1 =	seq.s32 s10, $0x1;
	s10 =	sld [smem:$0x3FBB];
	_ =	sdelay $0x3  }
0x37: {  	[smem:$0x3FBB] =	sst s10  }
0x38: {  	s10 =	sld [smem:$0x3FBC]  }
0x39: {  	_ = 	snop;
	(pc) =	sbr.ind lr, $3  }
0x3a: {  	_ = 	snop  }
0x3b: {  	_ = 	snop  }
0x3c: {  	p2 =	seq.s32 s10, $0x1;
	s10 =	sld [smem:$0x3FBB]  }
0x3d: {  	_ =	shalt  }
0x3e: {  	_ =	shalt  }
0x3f: {  	_ =	shalt  }
0x40: {  	_ =	shalt  }
0x41: {  	_ =	shalt  }
0x42: {  	_ =	shalt  }
0x43: {  	_ =	shalt  }
0x44: {  	_ =	shalt  }
0x45: {  	_ =	shalt  }
0x46: {  	_ =	shalt  }
0x47: {  	_ =	shalt  }
0x48: {  	_ =	shalt  }
0x49: {  	_ =	shalt  }
0x4a: {  	_ =	shalt  }
0x4b: {  	_ =	shalt  }
0x4c: {  	_ =	shalt  }
0x4d: {  	_ =	shalt  }
0x4e: {  	_ =	shalt  }
0x4f: {  	_ =	shalt  }
0x50: {  	_ =	shalt  }
0x51: {  	_ =	shalt  }
0x52: {  	_ =	shalt  }
0x53: {  	_ =	shalt  }
0x54: {  	_ =	shalt  }
0x55: {  	_ =	shalt  }
0x56: {  	_ =	shalt  }
0x57: {  	_ =	shalt  }
0x58: {  	_ =	shalt  }
0x59: {  	_ =	shalt  }
0x5a: {  	_ =	shalt  }
0x5b: {  	_ =	shalt  }
0x5c: {  	_ =	shalt  }
0x5d: {  	_ =	shalt  }
0x5e: {  	_ =	shalt  }
0x5f: {  	_ =	shalt  }
0x60: {  	_ =	shalt  }
0x61: {  	_ =	shalt  }
0x62: {  	_ =	shalt  }
0x63: {  	_ =	shalt  }
0x64: {  	_ =	shalt  }
0x65: {  	_ =	shalt  }
0x66: {  	_ =	shalt  }
0x67: {  	_ =	shalt  }
0x68: {  	_ =	shalt  }
0x69: {  	_ =	shalt  }
0x6a: {  	_ =	shalt  }
0x6b: {  	_ =	shalt  }
0x6c: {  	_ =	shalt  }
0x6d: {  	_ =	shalt  }
0x6e: {  	_ =	shalt  }
0x6f: {  	_ =	shalt  }
0x70: {  	_ =	shalt  }
0x71: {  	_ =	shalt  }
0x72: {  	_ =	shalt  }
0x73: {  	_ =	shalt  }
0x74: {  	_ =	shalt  }
0x75: {  	_ =	shalt  }
0x76: {  	_ =	shalt  }
0x77: {  	_ =	shalt  }
0x78: {  	_ =	shalt  }
0x79: {  	_ =	shalt  }
0x7a: {  	_ =	shalt  }
0x7b: {  	_ =	shalt  }
0x7c: {  	_ =	shalt  }
0x7d: {  	_ =	shalt  }
0x7e: {  	_ =	shalt  }
0x7f: {  	_ =	shalt  }
0x80: {  	_ =	shalt  }
0x81: {  	_ =	shalt  }
0x82: {  	_ =	shalt  }
0x83: {  	_ =	shalt  }
0x84: {  	_ =	shalt  }
0x85: {  	_ =	shalt  }
0x86: {  	_ =	shalt  }
0x87: {  	_ =	shalt  }
.Lfunc_end0:
.L_simem_size_0:
called_computation_lowered:
.L_overlay_start_0:
0x88: {  	s2 =	sld [smem:$0x3FD9]  }
0x89: {  	s3 =	sld [smem:$0x3FFE];
	_ =	sdelay $0x1  }
0x8a: {  	s1 =	srdreg.scid  }
0x8b: {  	s0 =	sand.u32 $0x1, s1  }
0x8c: {  	s14 =	sshll.u32 s0, $0xA;
	s2 =	sadd.s32 s3, s2  }
0x8d: {  	s2 =	sadd.s32 s2, s14  }
0x8e: {  	[smem:$0x3FC7] =	sst s2  }
0x8f: {  	_ = 	snop  }
0x90: {  	s2 =	sld [smem:$0x3FD0];
	_ =	sdelay $0x2  }
0x91: {  	s15 =	simm.s32 $0xA;
	s4 =	simm.s32 $0x10  }
0x92: {  	[smem:s4], [sflag:s15] =	dma.local [hbm:s2], $0x1  }
0x93: {  	_ =	swait.eq [sflag:s15], $0x1  }
0x94: {  	[sflag:s15] =	ssyncset.done $0x0  }
0x95: {  	s16 =	sld [smem:$0x10];
	[sflag:s15] =	ssyncadd.s32 $0xFFFFFFFF  }
0x96: {  	s17 =	sld [smem:$0x11];
	(tm) =	ssettm $0x1  }
0x97: {  	s18 =	sld [smem:$0x3FFB];
	_ =	sdelay $0x3  }
0x98: {  	_ =	strace s18  }
0x99: {  	s4 =	sld [smem:$0x3FFC];
	_ =	sdelay $0x3  }
0x9a: {  	_ =	strace s4  }
0x9b: {  	s4 =	sld [smem:$0x3FFD];
	_ =	sdelay $0x3  }
0x9c: {  	_ =	strace s4  }
0x9d: {  	_ =	strace $0x8FFFFFFF  }
0x9e: {  	s19 =	sld [smem:$0x3FDB];
	_ =	sdelay $0x1  }
0x9f: {  	s5 =	simm.s32 $_scs_section_size  }
0xa0: {  	s6 =	simm.s32 $_size__tile_overlayer_lowered;
	s7 =	simm.s32 $_tile_overlayer_lowered  }
0xa1: {  	s22 =	simm.s32 $0x1BFF;
	s21 =	sshll.u32 s7, $0x1;
	s4 =	sadd.s32 s5, s19  }
0xa2: {  	s8 =	simm.s32 $0x0;
	s20 =	sshll.u32 s6, $0x1;
	s6 =	sadd.s32 s21, s4  }
0xa3: {  	[timem:s8], [sflag:s22] =	dma.local [hbm:s6], s20  }
0xa4: {  	_ =	swait.ge [sflag:s22], s20  }
0xa5: {  	s5 =	ssub.s32 $0x0, s20;
	[sflag:s22] =	ssyncset.done $0x0  }
0xa6: {  	[sflag:s22] =	ssyncadd.s32 s5;
	_ =	sdelay $0x1  }
0xa7: {  	s23 =	simm.s32 $0x1B8B  }
0xa8: {  	_ =	swait.ge [sflag:s23], $0x1  }
0xa9: {  	[sflag:s23] =	ssyncset.done $0x0  }
0xaa: {  	s25 =	simm.s32 $0x1B8E;
	s24 =	sld [smem:$0x3FFE];
	[sflag:s23] =	ssyncadd.s32 $0xFFFFFFFF  }
0xab: {  	s26 =	simm.s32 $execute0_lowered;
	[smem:$0x3FD2] =	sst s25  }
0xac: {  	s6 =	sshll.u32 s26, $0x1;
	_ =	strace $0x80000046;
	[dreg:$0x1] =	wrdreg $0xFFFFFFFF  }
0xad: {  	s28 =	simm.s32 $_size_execute0_lowered;
	s4 =	sadd.s32 s4, s6;
	[dreg:$0x0] =	wrdreg $0x0  }
0xae: {  	s6 =	sshll.u32 s28, $0x1;
	[dreg:$0x2] =	wrdreg s4  }
0xaf: {  	[dreg:$0x3] =	wrdreg s6  }
0xb0: {  	[dreg:$0x4] =	wrdreg $0xC0  }
0xb1: {  	_ =	task [dreg:s8], $0x5FFFF  }
0xb2: {  	[dreg:$0x1] =	wrdreg $0xFFFFFFFF  }
0xb3: {  	[dreg:$0x0] =	wrdreg $0x60  }
0xb4: {  	[dreg:$0x2] =	wrdreg s24  }
0xb5: {  	[dreg:$0x3] =	wrdreg s16  }
0xb6: {  	[dreg:$0x4] =	wrdreg s17  }
0xb7: {  	[dreg:$0x5] =	wrdreg $0x9  }
0xb8: {  	_ =	task.clear_ibuf [dreg:s8], $0x6FFFF;
	_ =	strace $0x90000046  }
0xb9: {  	s29 =	simm.s32 $0x9;
	_ =	strace $0x80000048  }
0xba: {  	_ =	swait.ge [sflag:s29], $0x1  }
0xbb: {  	[sflag:s29] =	ssyncadd.s32 $0xFFFFFFFF  }
0xbc: {  	_ =	strace $0x90000048  }
0xbd: {  	_ =	sfence  }
0xbe: {  	s30 =	sld [smem:$0x0];
	_ =	sdelay $0x2  }
0xbf: {  	s31 =	sshll.u32 s1, $0xD;
	s1 =	sshrl.u32 s1, $0x2  }
0xc0: {  	s3 =	sand.u32 $0x4000, s31;
	s1 =	sadd.s32 s1, s30  }
0xc1: {  	s0 =	sor.u32 s3, s0;
	s1 =	sshll.u32 s1, $0x11  }
0xc2: {  	s0 =	sor.u32 s1, s0  }
0xc3: {  	s0 =	sadd.s32 $0x8F2B, s0  }
0xc4: {  	[sflag:s0] =	ssyncadd.remote.s32 $0x1  }
0xc5: {  	_ =	sfence.sel $0xFFFF  }
0xc6: {  	[dreg:$0x0] =	wrdreg $0xFFFFFFFF;
	(pc) =	sbr.abs _section_cstart, $3  }
0xc7: {  	[dreg:$0x1] =	wrdreg $0xFFFFFFFF  }
0xc8: {  	_ =	task.clear_ibuf [dreg:s8], $0x2FFFF;
	_ =	strace $0x9FFFFFFF  }
0xc9: {  	(tm) =	ssettm $0x7FFFFFFF  }
tec
execute0_lowered:
.L_overlay_start_1:
0x0: {  	(tag) =	ssettag $0x1  }
0x1: {  	s0 =	rddreg [dreg:$0x0]  }
0x2: {  	s1 =	rddreg [dreg:$0x1]  }
0x3: {  	s2 =	rddreg [dreg:$0x2];
	s4 =	simm.s32 $0x0  }
0x4: {  	s5 =	srdreg.scid;
	s3 =	stileid.u32;
	s9 =	simm.s32 $0x1  }
0x5: {  	s10 =	simm.s32 $0x400;
	s11 =	simm.s32 $0x2000;
	s5 =	sand.u32 $0x1, s5  }
0x6: {  	s12 =	simm.s32 $0x2400;
	s13 =	simm.s32 $0x4400;
	s7 =	ssub.s32 $0x2, s5  }
0x7: {  	s16 =	simm.s32 $0x0;
	[smem:$0x7FF] =	sst s4;
	s8 =	sshrl.u32 s7, $0x1  }
0x8: {  	s6 =	sshll.u32 s3, $0x4;
	s5 =	sshll.u32 s5, $0x3;
	s31 =	ssub.s32 s7, s8  }
0x9: {  	v0 =	vlaneseq.u32;
	s5 =	sor.u32 s5, s6;
	s6 =	sadd.s32 $0x800, s0;
	s0 =	smax.u32 s31, $0x1  }
0xa: {  	v0 =	vmul.u32 $0x40, v0;
	_ =	strace $0x80000047;
	s7 =	sshrl.u32 s5, $0x3;
	[dreg:$0x4] =	wrdreg s0  }
.LBB2_1:
0xb: {  	s14 =	simm.s32 $0x0  }
.LBB2_2:
0xc: {  	s15 =	sor.u32 s5, s14  }
0xd: {  	s0 =	sshll.u32 s15, $0xA  }
0xe: {  	s0 =	sadd.s32 s6, s0  }
0xf: {  	[tilespmem:s16], [sflag:$0x1] =	stream.linear.gather [hbm4b:s0+s16], $0x2000, $0x38;
	[tilespmem:$0x14400] =	vst v63  }
0x10: {  	_ =	swait.ge [sflag:s9], $0x2000  }
0x11: {  	s17 =	simm.s32 $0x2800;
	s18 =	simm.s32 $0x6400;
	[sflag:s9] =	ssyncset.done $0x0  }
0x12: {  	s19 =	simm.s32 $0x6780;
	s20 =	simm.s32 $0x0;
	[sflag:s9] =	ssyncadd.s32 $0xFFFFE000  }
.LBB2_3:
0x13: {  	s0 =	sshll.u32 s20, $0x4  }
0x14: {  	v1 =	vmov s0  }
0x15: {  	v1 =	vshll.u32 v1, $0x6  }
0x16: {  	s23 =	simm.s32 $0xC;
	v1 =	vor.u32 v0, v1  }
0x17: {  	v2 =	vor.u32 s23, v1  }
0x18: {  	s24 =	simm.s32 $0x8;
	v3 =	vor.u32 s16, v1  }
0x19: {  	s25 =	simm.s32 $0x4;
	v4 =	vor.u32 s24, v1  }
0x1a: {  	s21 =	simm.s32 $0x1C;
	v5 =	vor.u32 s25, v1  }
0x1b: {  	v11 =	vor.u32 s21, v1  }
0x1c: {  	v6 =	vld.idx.msk [tilespmem:v2+s16+$0x0], $0xffff  }
0x1d: {  	v3 =	vld.idx.msk [tilespmem:v3+s16+$0x0], $0xffff  }
0x1e: {  	v4 =	vld.idx.msk [tilespmem:v4+s16+$0x0], $0xffff  }
0x1f: {  	s23 =	simm.s32 $0x10;
	v5 =	vld.idx.msk [tilespmem:v5+s16+$0x0], $0xffff  }
0x20: {  	s24 =	simm.s32 $0x2080;
	v13 =	vor.u32 s23, v1;
	v11 =	vld.idx.msk [tilespmem:v11+s16+$0x0], $0xffff  }
0x21: {  	s26 =	simm.s32 $0x1;
	[tilespmem:s24+$0x40] =	vst v6  }
0x22: {  	v2 =	vor.u32 s26, v1;
	[tilespmem:s24+$0xFFFFFF80] =	vst v3  }
0x23: {  	s31 =	simm.s32 $0x9;
	s22 =	simm.s32 $0x2;
	[tilespmem:s24+$0x0] =	vst v4  }
0x24: {  	s8 =	simm.s32 $0xD;
	v7 =	vor.u32 s31, v1;
	v14 =	vor.u32 s22, v1;
	s22 =	simm.s32 $0x2180;
	[tilespmem:s24+$0xFFFFFFC0] =	vst v5  }
0x25: {  	s3 =	simm.s32 $0x5;
	v10 =	vor.u32 s8, v1;
	v13 =	vld.idx.msk [tilespmem:v13+s16+$0x0], $0xffff;
	[tilespmem:s22+$0x40] =	vst v11  }
0x26: {  	v8 =	vor.u32 s3, v1;
	v12 =	vmul.f32 v3, v3;
	[tilespmem:s17+$0xFFFFFC00] =	vst v3  }
0x27: {  	[tilespmem:s17+$0x0] =	vst v4;
	v9 =	vld.idx.msk [tilespmem:v2+s16+$0x0], $0xffff;
	v2 =	vimm.f32 $0.0e+00  }
0x28: {  	s21 =	simm.s32 $0x14;
	v15 =	vmul.f32 v5, v5;
	[tilespmem:s17+$0xFFFFFE00] =	vst v5;
	v12 =	vadd.f32 v12, v2  }
0x29: {  	v16 =	vor.u32 s21, v1;
	s26 =	simm.s32 $0x18;
	[tilespmem:s17+$0x200] =	vst v6;
	v7 =	vld.idx.msk [tilespmem:v7+s16+$0x0], $0xffff  }
0x2a: {  	[tilespmem:s22+$0xFFFFFF80] =	vst v13;
	v18 =	vld.idx.msk [tilespmem:v10+s16+$0x0], $0xffff;
	v3 =	vadd.f32 v3, v2;
	v10 =	vadd.f32 v15, v12;
	v15 =	vor.u32 s26, v1;
	s26 =	sadd.s32 $0x800, s17  }
0x2b: {  	v8 =	vld.idx.msk [tilespmem:v8+s16+$0x0], $0xffff;
	[tilespmem:s26+$0x200] =	vst v11  }
0x2c: {  	s25 =	simm.s32 $0x6;
	v3 =	vadd.f32 v5, v3;
	v12 =	vmul.f32 v4, v4;
	[tilespmem:s26+$0xFFFFFC00] =	vst v13  }
0x2d: {  	v5 =	vor.u32 s25, v1;
	[tilespmem:s24+$0xFFFFFF90] =	vst v9  }
0x2e: {  	[tilespmem:s24+$0x10] =	vst v7;
	v3 =	vadd.f32 v4, v3;
	v10 =	vadd.f32 v12, v10  }
0x2f: {  	v12 =	vmul.f32 v6, v6;
	v17 =	vmul.f32 v9, v9;
	v4 =	vld.idx.msk [tilespmem:v16+s16+$0x0], $0xffff;
	[tilespmem:s17+$0xFFFFFC80] =	vst v9  }
0x30: {  	s31 =	simm.s32 $0xE;
	[tilespmem:s24+$0xFFFFFFD0] =	vst v8;
	v16 =	vmul.f32 v8, v8;
	v19 =	vmul.f32 v7, v7;
	v14 =	vld.idx.msk [tilespmem:v14+s16+$0x0], $0xffff  }
0x31: {  	s3 =	simm.s32 $0xA;
	[tilespmem:s17+$0xFFFFFE80] =	vst v8;
	v9 =	vadd.f32 v9, v2;
	v3 =	vadd.f32 v6, v3;
	v6 =	vor.u32 s31, v1  }
0x32: {  	[tilespmem:s24+$0x50] =	vst v18;
	v10 =	vadd.f32 v12, v10;
	v12 =	vadd.f32 v17, v2;
	v17 =	vor.u32 s3, v1;
	s3 =	simm.s32 $0x19;
	v5 =	vld.idx.msk [tilespmem:v5+s16+$0x0], $0xffff  }
0x33: {  	s8 =	simm.s32 $0x3;
	[tilespmem:s17+$0x80] =	vst v7;
	v15 =	vld.idx.msk [tilespmem:v15+s16+$0x0], $0xffff;
	v8 =	vadd.f32 v8, v9;
	v9 =	vmul.f32 v13, v13;
	v22 =	vor.u32 s3, v1  }
0x34: {  	[tilespmem:s17+$0x280] =	vst v18;
	v3 =	vadd.f32 v13, v3;
	v12 =	vadd.f32 v16, v12;
	v16 =	vor.u32 s8, v1  }
0x35: {  	s21 =	simm.s32 $0x7;
	v9 =	vadd.f32 v9, v10;
	v10 =	vmul.f32 v4, v4;
	v7 =	vadd.f32 v7, v8;
	[tilespmem:s24+$0xFFFFFFA0] =	vst v14  }
0x36: {  	s25 =	simm.s32 $0x11;
	v3 =	vadd.f32 v4, v3;
	v19 =	vadd.f32 v19, v12;
	v12 =	vor.u32 s21, v1;
	v6 =	vld.idx.msk [tilespmem:v6+s16+$0x0], $0xffff;
	[tilespmem:s17+$0xFFFFFD00] =	vst v14  }
0x37: {  	v8 =	vadd.f32 v10, v9;
	v9 =	vor.u32 s25, v1;
	v20 =	vld.idx.msk [tilespmem:v17+s16+$0x0], $0xffff;
	v17 =	vmul.f32 v14, v14;
	[tilespmem:s24+$0xFFFFFFE0] =	vst v5  }
0x38: {  	v7 =	vadd.f32 v18, v7;
	v18 =	vmul.f32 v18, v18;
	[tilespmem:s22+$0x0] =	vst v15;
	v10 =	vmul.f32 v15, v15  }
0x39: {  	s31 =	simm.s32 $0xF;
	v3 =	vadd.f32 v15, v3;
	v14 =	vadd.f32 v14, v2;
	v24 =	vmul.f32 v5, v5;
	[tilespmem:s17+$0xFFFFFF00] =	vst v5  }
0x3a: {  	v21 =	vor.u32 s31, v1;
	s8 =	simm.s32 $0xB;
	[tilespmem:s26+$0x0] =	vst v15;
	v8 =	vadd.f32 v10, v8;
	v10 =	vld.idx.msk [tilespmem:v16+s16+$0x0], $0xffff;
	v16 =	vadd.f32 v17, v2  }
0x3b: {  	v23 =	vor.u32 s8, v1;
	v17 =	vld.idx.msk [tilespmem:v12+s16+$0x0], $0xffff;
	v12 =	vadd.f32 v5, v14;
	v14 =	vmul.f32 v11, v11;
	[tilespmem:s24+$0x60] =	vst v6  }
0x3c: {  	v5 =	vadd.f32 v11, v3;
	v13 =	vadd.f32 v24, v16;
	v62 =	vmul.f32 v20, v20;
	[tilespmem:s24+$0x20] =	vst v20  }
0x3d: {  	s25 =	simm.s32 $0x15;
	v16 =	vld.idx.msk [tilespmem:v9+s16+$0x0], $0xffff;
	v63 =	vmul.f32 v6, v6;
	[tilespmem:s17+$0x300] =	vst v6;
	v3 =	vadd.f32 v14, v8  }
0x3e: {  	s31 =	simm.s32 $0x1D;
	v9 =	vld.idx.msk [tilespmem:v22+s16+$0x0], $0xffff;
	v8 =	vadd.f32 v20, v12;
	v12 =	vor.u32 s25, v1;
	[tilespmem:s17+$0x100] =	vst v20;
	v13 =	vadd.f32 v62, v13  }
0x3f: {  	s30 =	simm.s32 $0x20;
	v14 =	vadd.f32 v18, v19;
	v18 =	vor.u32 s31, v1;
	v11 =	vld.idx.msk [tilespmem:v21+s16+$0x0], $0xffff;
	v19 =	vmul.f32 v10, v10;
	[tilespmem:s24+$0xFFFFFFB0] =	vst v10  }
0x40: {  	s29 =	smov.u32 s17;
	s28 =	simm.s32 $0x0;
	s25 =	smov.u32 s26;
	v15 =	vld.idx.msk [tilespmem:v23+s16+$0x0], $0xffff;
	v8 =	vadd.f32 v6, v8;
	[tilespmem:s24+$0xFFFFFFF0] =	vst v17;
	v6 =	vadd.f32 v63, v13;
	v13 =	vimm.f32 $0.0e+00  }
.LBB2_4:
0x41: {  	s21 =	sadd.s32 $0x8, s30  }
0x42: {  	v20 =	vor.u32 s30, v1;
	s3 =	sadd.s32 $0xC, s30;
	[tilespmem:s29+$0xFFFFFF80] =	vst v17;
	s31 =	smov.u32 s30;
	s0 =	sadd.s32 $0x10, s30  }
0x43: {  	p0 =	slt.u32 s30, $0x30;
	v2 =	vadd.f32 v10, v2;
	s8 =	sadd.s32 $0x4, s31;
	v21 =	vor.u32 s21, v1;
	v22 =	vor.u32 s3, v1;
	[tilespmem:s22+$0xFFFFFFC0] =	vst v4  }
0x44: {  	s3 =	sadd.s32 $0xA, s23;
	v23 =	vor.u32 s8, v1;
	[tilespmem:s26+$0xFFFFFE00] =	vst v4;
	v4 =	vadd.f32 v19, v13;
	v13 =	vmul.f32 v17, v17  }
0x45: {  	v24 =	vor.u32 s3, v1;
	s3 =	sadd.s32 $0xE, s23;
	v2 =	vadd.f32 v17, v2;
	[tilespmem:s22+$0xFFFFFF90] =	vst v16;
	v19 =	vld.idx.msk [tilespmem:v12+s28+$0x0], $0xffff  }
0x46: {  	s21 =	simm.s32 $0x0;
	v17 =	vor.u32 s3, v1;
	v12 =	vmul.f32 v15, v15;
	v4 =	vadd.f32 v13, v4;
	[tilespmem:s24+$0x30] =	vst v15  }
0x47: {  	v2 =	vadd.f32 v15, v2;
	v13 =	vmul.f32 v11, v11;
	v20 =	vld.idx.msk [tilespmem:v20+s21+$0x0], $0xffff;
	[tilespmem:s26+$0xFFFFFC80] =	vst v16  }
0x48: {  	v25 =	vmul.f32 v16, v16;
	s3 =	sadd.s32 $0x2, s23;
	v22 =	vld.idx.msk [tilespmem:v22+s21+$0x0], $0xffff;
	v12 =	vadd.f32 v12, v4;
	[tilespmem:s24+$0x70] =	vst v11;
	s24 =	smov.u32 s22  }
0x49: {  	v7 =	vadd.f32 v16, v7;
	s8 =	sadd.s32 $0x1, s31;
	v16 =	vor.u32 s3, v1;
	s3 =	sadd.s32 $0x6, s23;
	v2 =	vadd.f32 v11, v2;
	v4 =	vld.idx.msk [tilespmem:v23+s21+$0x0], $0xffff;
	[tilespmem:s29+$0x380] =	vst v11  }
0x4a: {  	v23 =	vor.u32 s8, v1;
	v11 =	vadd.f32 v25, v14;
	v14 =	vor.u32 s3, v1;
	[tilespmem:s22+$0x10] =	vst v9;
	v18 =	vld.idx.msk [tilespmem:v18+s28+$0x0], $0xffff  }
0x4b: {  	s3 =	sadd.s32 $0x5, s31;
	v7 =	vadd.f32 v19, v7;
	v25 =	vmul.f32 v19, v19;
	v13 =	vadd.f32 v13, v12;
	[tilespmem:s26+$0x80] =	vst v9  }
0x4c: {  	v26 =	vmul.f32 v9, v9;
	v12 =	vor.u32 s3, v1;
	s22 =	sadd.s32 $0x100, s22;
	v21 =	vld.idx.msk [tilespmem:v21+s21+$0x0], $0xffff;
	[tilespmem:s29+$0xFFFFFD80] =	vst v10  }
0x4d: {  	s8 =	sadd.s32 $0xB, s23;
	s3 =	sadd.s32 $0x9, s31;
	s26 =	sadd.s32 $0x800, s26;
	v5 =	vadd.f32 v20, v5;
	v10 =	vmul.f32 v20, v20;
	v11 =	vadd.f32 v25, v11;
	[tilespmem:s24+$0xFFFFFFD0] =	vst v19  }
0x4e: {  	v27 =	vor.u32 s8, v1;
	v25 =	vor.u32 s3, v1;
	v16 =	vld.idx.msk [tilespmem:v16+s28+$0x0], $0xffff;
	[tilespmem:s29+$0x180] =	vst v15;
	s29 =	smov.u32 s25;
	s25 =	smov.u32 s26  }
0x4f: {  	v5 =	vadd.f32 v4, v5;
	v11 =	vadd.f32 v26, v11;
	[tilespmem:s29+$0xFFFFFE80] =	vst v19  }
0x50: {  	v3 =	vadd.f32 v10, v3;
	v10 =	vmul.f32 v4, v4;
	v15 =	vld.idx.msk [tilespmem:v14+s28+$0x0], $0xffff;
	[tilespmem:s24+$0x50] =	vst v18  }
0x51: {  	s3 =	sadd.s32 $0x3, s23;
	v7 =	vadd.f32 v9, v7;
	v9 =	vmul.f32 v18, v18;
	[tilespmem:s29+$0x280] =	vst v18  }
0x52: {  	v3 =	vadd.f32 v10, v3;
	v14 =	vor.u32 s3, v1;
	v10 =	vmul.f32 v21, v21;
	[tilespmem:s22+$0x40] =	vst v22  }
0x53: {  	v7 =	vadd.f32 v18, v7;
	s3 =	sadd.s32 $0x7, s23;
	v5 =	vadd.f32 v21, v5;
	[tilespmem:s26+$0x200] =	vst v22;
	v26 =	vld.idx.msk [tilespmem:v17+s28+$0x0], $0xffff  }
0x54: {  	v3 =	vadd.f32 v10, v3;
	v8 =	vadd.f32 v16, v8;
	v10 =	vmul.f32 v16, v16;
	[tilespmem:s24+$0xFFFFFFA0] =	vst v16  }
0x55: {  	v5 =	vadd.f32 v22, v5;
	v17 =	vmul.f32 v22, v22;
	[tilespmem:s29+$0xFFFFFD00] =	vst v16;
	v16 =	vor.u32 s3, v1  }
0x56: {  	v6 =	vadd.f32 v10, v6;
	v18 =	vmul.f32 v15, v15;
	s3 =	sadd.s32 $0xF, s23;
	s23 =	smov.u32 s31;
	[tilespmem:s24+$0xFFFFFFE0] =	vst v15;
	v22 =	vld.idx.msk [tilespmem:v24+s28+$0x0], $0xffff  }
0x57: {  	v3 =	vadd.f32 v17, v3;
	v8 =	vadd.f32 v15, v8;
	v19 =	vor.u32 s3, v1;
	[tilespmem:s22+$0x0] =	vst v21;
	v10 =	vld.idx.msk [tilespmem:v14+s28+$0x0], $0xffff  }
0x58: {  	v6 =	vadd.f32 v18, v6;
	v14 =	vadd.f32 v9, v11;
	[tilespmem:s22+$0xFFFFFF80] =	vst v20  }
0x59: {  	[tilespmem:s29+$0xFFFFFF00] =	vst v15  }
0x5a: {  	v17 =	vld.idx.msk [tilespmem:v16+s28+$0x0], $0xffff;
	[tilespmem:s24+$0x60] =	vst v26  }
0x5b: {  	[tilespmem:s29+$0x300] =	vst v26  }
0x5c: {  	v8 =	vadd.f32 v22, v8;
	v9 =	vmul.f32 v22, v22;
	[tilespmem:s26+$0xFFFFFC00] =	vst v20;
	v11 =	vld.idx.msk [tilespmem:v19+s28+$0x0], $0xffff  }
.Ltmp0:
0x5d: {  	s3 =	sadd.s32 $0xD, s23;
	v19 =	vmul.f32 v10, v10;
	[tilespmem:s24+$0x20] =	vst v22;
	(pc) =	sbr.rel @p0 .LBB2_4-.Ltmp0, $4  }
0x5e: {  	v18 =	vor.u32 s3, v1;
	v20 =	vmul.f32 v26, v26;
	v6 =	vadd.f32 v9, v6;
	v16 =	vld.idx.msk [tilespmem:v23+s21+$0x0], $0xffff;
	[tilespmem:s26+$0x0] =	vst v21  }
0x5f: {  	v8 =	vadd.f32 v26, v8;
	v9 =	vld.idx.msk [tilespmem:v25+s21+$0x0], $0xffff;
	[tilespmem:s29+$0x100] =	vst v22  }
0x60: {  	v6 =	vadd.f32 v20, v6;
	[tilespmem:s24+$0xFFFFFFF0] =	vst v17;
	v15 =	vld.idx.msk [tilespmem:v27+s28+$0x0], $0xffff;
	s28 =	smov.u32 s21  }
0x61: {  	s30 =	smov.u32 s0;
	[tilespmem:s24+$0xFFFFFFB0] =	vst v10  }
0x62: {  	[tilespmem:s29+$0xFFFFFF80] =	vst v17  }
0x63: {  	[tilespmem:s22+$0xFFFFFFC0] =	vst v4  }
0x64: {  	[tilespmem:s24+$0x70] =	vst v11  }
0x65: {  	s0 =	sadd.s32 $0x2, s23;
	[tilespmem:s29+$0xFFFFFD80] =	vst v10  }
0x66: {  	v18 =	vld.idx.msk [tilespmem:v18+s28+$0x0], $0xffff;
	[tilespmem:s26+$0xFFFFFE00] =	vst v4;
	v45 =	vor.u32 s0, v1  }
0x67: {  	s3 =	sadd.s32 $0x6, s23;
	s8 =	sadd.s32 $0xE, s23;
	[tilespmem:s22+$0xFFFFFF90] =	vst v16  }
0x68: {  	v20 =	vor.u32 s3, v1;
	s3 =	sadd.s32 $0xA, s23;
	v21 =	vor.u32 s8, v1;
	[tilespmem:s26+$0xFFFFFC80] =	vst v16  }
0x69: {  	v4 =	vld.idx.msk [tilespmem:v12+s28+$0x0], $0xffff;
	[tilespmem:s22+$0x10] =	vst v9;
	v22 =	vor.u32 s3, v1  }
0x6a: {  	[tilespmem:s24+$0x30] =	vst v15  }
0x6b: {  	[tilespmem:s22+$0x50] =	vst v18;
	v12 =	vld.idx.msk [tilespmem:v45+s28+$0x0], $0xffff  }
0x6c: {  	[tilespmem:s25+$0x280] =	vst v18  }
0x6d: {  	[tilespmem:s26+$0x80] =	vst v9;
	v50 =	vld.idx.msk [tilespmem:v21+s28+$0x0], $0xffff  }
0x6e: {  	[tilespmem:s22+$0xFFFFFFD0] =	vst v4;
	v22 =	vld.idx.msk [tilespmem:v22+s28+$0x0], $0xffff  }
0x6f: {  	s24 =	sadd.s32 $0x3, s23;
	[tilespmem:s25+$0xFFFFFE80] =	vst v4  }
0x70: {  	v2 =	vadd.f32 v10, v2;
	s30 =	sadd.s32 $0xB, s23;
	v48 =	vor.u32 s24, v1;
	v47 =	vld.idx.msk [tilespmem:v20+s28+$0x0], $0xffff;
	[tilespmem:s22+$0xFFFFFFA0] =	vst v12  }
0x71: {  	v10 =	vadd.f32 v19, v13;
	v46 =	vmul.f32 v17, v17;
	v55 =	vor.u32 s30, v1;
	s26 =	sadd.s32 $0x7, s23;
	[tilespmem:s25+$0xFFFFFD00] =	vst v12  }
0x72: {  	s31 =	sadd.s32 $0xF, s23;
	v52 =	vmul.f32 v16, v16;
	v2 =	vadd.f32 v17, v2;
	v51 =	vor.u32 s26, v1;
	[tilespmem:s22+$0x60] =	vst v50  }
0x73: {  	v10 =	vadd.f32 v46, v10;
	v49 =	vmul.f32 v15, v15;
	v1 =	vor.u32 s31, v1;
	[tilespmem:s22+$0x20] =	vst v22  }
0x74: {  	v7 =	vadd.f32 v16, v7;
	v57 =	vmul.f32 v9, v9;
	v53 =	vadd.f32 v52, v14;
	[tilespmem:s25+$0x100] =	vst v22  }
0x75: {  	v2 =	vadd.f32 v15, v2;
	v10 =	vadd.f32 v49, v10;
	v56 =	vld.idx.msk [tilespmem:v48+s28+$0x0], $0xffff;
	[tilespmem:s22+$0xFFFFFFE0] =	vst v47  }
0x76: {  	v54 =	vmul.f32 v4, v4;
	v4 =	vadd.f32 v4, v7;
	v59 =	vld.idx.msk [tilespmem:v55+s28+$0x0], $0xffff;
	[tilespmem:s25+$0xFFFFFF00] =	vst v47  }
0x77: {  	v2 =	vadd.f32 v11, v2;
	v7 =	vmul.f32 v11, v11;
	[tilespmem:s25+$0x300] =	vst v50;
	v58 =	vld.idx.msk [tilespmem:v51+s28+$0x0], $0xffff  }
0x78: {  	v60 =	vmul.f32 v18, v18;
	v13 =	vadd.f32 v54, v53;
	v4 =	vadd.f32 v9, v4;
	v61 =	vld.idx.msk [tilespmem:v1+s28+$0x0], $0xffff  }
0x79: {  	[tilespmem:s29+$0x380] =	vst v11;
	v7 =	vadd.f32 v7, v10;
	v8 =	vadd.f32 v12, v8;
	v9 =	vmul.f32 v12, v12  }
0x7a: {  	[tilespmem:s29+$0x180] =	vst v15;
	v11 =	vadd.f32 v57, v13;
	v10 =	vadd.f32 v18, v4;
	v1 =	vmul.f32 v56, v56  }
0x7b: {  	v4 =	vadd.f32 v9, v6;
	v6 =	vmul.f32 v47, v47;
	v8 =	vadd.f32 v47, v8;
	[tilespmem:s22+$0xFFFFFFB0] =	vst v56  }
0x7c: {  	v2 =	vadd.f32 v56, v2;
	[tilespmem:s22+$0x30] =	vst v59;
	v1 =	vadd.f32 v1, v7;
	v7 =	vmul.f32 v58, v58  }
0x7d: {  	v9 =	vmul.f32 v22, v22;
	v6 =	vadd.f32 v6, v4;
	v4 =	vadd.f32 v60, v11;
	[tilespmem:s22+$0x70] =	vst v61  }
0x7e: {  	[tilespmem:s25+$0xFFFFFD80] =	vst v56;
	v2 =	vadd.f32 v58, v2;
	v1 =	vadd.f32 v7, v1;
	v7 =	vmul.f32 v59, v59  }
0x7f: {  	v8 =	vadd.f32 v22, v8;
	v6 =	vadd.f32 v9, v6;
	v9 =	vmul.f32 v50, v50;
	[tilespmem:s25+$0x380] =	vst v61  }
0x80: {  	v62 =	vmul.f32 v61, v61;
	[tilespmem:s25+$0x180] =	vst v59;
	v11 =	vadd.f32 v59, v2;
	v63 =	vadd.f32 v7, v1  }
0x81: {  	[tilespmem:s22+$0xFFFFFFF0] =	vst v58;
	v2 =	vadd.f32 v50, v8;
	v1 =	vadd.f32 v9, v6  }
0x82: {  	s22 =	smov.u32 s18;
	[tilespmem:s25+$0xFFFFFF80] =	vst v58;
	v7 =	vadd.f32 v61, v11;
	v6 =	vadd.f32 v62, v63  }
.LBB2_6:
0x83: {  	_ = 	snop  }
0x84: {  	v5 =	vadd.f32 v10, v5;
	v2 =	vadd.f32 v7, v2  }
0x85: {  	v3 =	vadd.f32 v4, v3  }
0x86: {  	v1 =	vadd.f32 v6, v1;
	v2 =	vadd.f32 v2, v5;
	_ =	sdelay $0x1  }
0x87: {  	v1 =	vadd.f32 v1, v3;
	v5 =	vmul.f32 $1.562500000e-02, v2;
	_ =	sdelay $0x1  }
0x88: {  	v1 =	vmul.f32 $1.562500000e-02, v1;
	v2 =	vmul.f32 v5, v5;
	_ =	sdelay $0x1  }
0x89: {  	v1 =	vsub.f32 v1, v2;
	_ =	sdelay $0x1  }
0x8a: {  	v1 =	vmul.f32 $1.015873070e+00, v1;
	_ =	sdelay $0x1  }
0x8b: {  	v1 =	vmax.f32 v1, $1.000000000e-30  }
0x8c: {  	v2 =	vshra.s32 v1, $0x1;
	v3 =	vmul.f32 $5.000000000e-01, v1  }
0x8d: {  	v2 =	vsub.s32 $0x5F3759DF, v2  }
0x8e: {  	v4 =	vmul.f32 v2, v3;
	_ =	sdelay $0x1  }
0x8f: {  	v4 =	vmul.f32 v2, v4;
	_ =	sdelay $0x1  }
0x90: {  	v4 =	vsub.f32 $1.500000000e+00, v4;
	_ =	sdelay $0x1  }
0x91: {  	v2 =	vmul.f32 v2, v4;
	_ =	sdelay $0x1  }
0x92: {  	v4 =	vmul.f32 v2, v3;
	_ =	sdelay $0x1  }
0x93: {  	v4 =	vmul.f32 v4, v2;
	_ =	sdelay $0x1  }
0x94: {  	v4 =	vsub.f32 $1.500000000e+00, v4;
	_ =	sdelay $0x1  }
0x95: {  	v2 =	vmul.f32 v4, v2;
	_ =	sdelay $0x1  }
0x96: {  	v3 =	vmul.f32 v2, v3;
	_ =	sdelay $0x1  }
0x97: {  	v3 =	vmul.f32 v3, v2;
	_ =	sdelay $0x1  }
0x98: {  	v3 =	vsub.f32 $1.500000000e+00, v3;
	_ =	sdelay $0x1  }
0x99: {  	v2 =	vmul.f32 v3, v2;
	_ =	sdelay $0x1  }
0x9a: {  	v1 =	vmul.f32 v2, v1;
	_ =	sdelay $0x1  }
0x9b: {  	v1 =	vadd.f32 $9.999999740e-06, v1;
	_ =	sdelay $0x1  }
0x9c: {  	(erf) = vrcp.f32 v1;
	_ =	sdelay $0x6  }
0x9d: {  	s23 =	simm.s32 $0x2080  }
0x9e: {  	v6 =	vld [tilespmem:s23+$0xFFFFFFC0]  }
0x9f: {  	v7 =	vld [tilespmem:s23+$0xFFFFFF80];
	v2 =	vpop (erf)  }
0xa0: {  	v4 =	vmul.f32 $3.000000000e+00, v2;
	_ =	sdelay $0x1  }
0xa1: {  	v2 =	vmul.f32 v4, v5;
	_ =	sdelay $0x1  }
0xa2: {  	v9 =	vmul.f32 v7, v4;
	v3 =	vsub.f32 $3.500000000e+00, v2;
	v2 =	vmul.f32 v6, v4;
	_ =	sdelay $0x1  }
0xa3: {  	v8 =	vld [tilespmem:s23+$0x0];
	v2 =	vadd.f32 v2, v3;
	v9 =	vadd.f32 v9, v3;
	_ =	sdelay $0x1  }
0xa4: {  	v10 =	vld [tilespmem:s23+$0x40];
	v2 =	vtrunc.f32 v2;
	v9 =	vtrunc.f32 v9  }
0xa5: {  	v2 =	vcvt.f32.s32 v2;
	v9 =	vcvt.f32.s32 v9;
	_ =	sdelay $0x1  }
0xa6: {  	v11 =	vmul.f32 v8, v4;
	vm0 =	vgt.s32 v2, $0x0;
	vm12 =	vgt.s32 v9, $0x0  }
0xa7: {  	s24 =	simm.s32 $0x2180;
	v2 =	vnsel vm0, $0x0, v2;
	v9 =	vnsel vm12, $0x0, v9  }
0xa8: {  	v32 =	vld [tilespmem:s24+$0xFFFFFF80];
	v12 =	vmin.u32 v2, $0x6;
	v2 =	vadd.f32 v11, v3;
	v11 =	vmul.f32 v10, v4  }
0xa9: {  	v9 =	vmin.u32 v9, $0x6;
	[tilespmem:s22+$0xFFFFF000] =	vst v12  }
0xaa: {  	[tilespmem:s22+$0xFFFFE000] =	vst v9;
	v13 =	vld [tilespmem:s23+$0xFFFFFFD0];
	v2 =	vtrunc.f32 v2;
	v11 =	vadd.f32 v11, v3  }
0xab: {  	v9 =	vcvt.s32.f32 v9;
	v15 =	vld [tilespmem:s23+$0xFFFFFF90];
	v14 =	vcvt.f32.s32 v2  }
0xac: {  	v2 =	vmul.f32 $3.333333430e-01, v1;
	v11 =	vtrunc.f32 v11  }
0xad: {  	v34 =	vmul.f32 v32, v4;
	v1 =	vsub.f32 v5, v1;
	v5 =	vcvt.f32.s32 v11  }
0xae: {  	vm13 =	vgt.s32 v14, $0x0;
	v11 =	vcvt.s32.f32 v12;
	v9 =	vmul.f32 v9, v2  }
0xaf: {  	v12 =	vnsel vm13, $0x0, v14;
	v14 =	vmul.f32 v13, v4;
	vm14 =	vgt.s32 v5, $0x0  }
0xb0: {  	v12 =	vmin.u32 v12, $0x6;
	v11 =	vmul.f32 v11, v2;
	v17 =	vmul.f32 v15, v4  }
0xb1: {  	v5 =	vnsel vm14, $0x0, v5;
	[tilespmem:s22+$0x0] =	vst v12;
	v12 =	vcvt.s32.f32 v12;
	v14 =	vadd.f32 v14, v3  }
0xb2: {  	v5 =	vmin.u32 v5, $0x6;
	v16 =	vld [tilespmem:s23+$0x10];
	v11 =	vadd.f32 v11, v1;
	v17 =	vadd.f32 v17, v3  }
0xb3: {  	v9 =	vadd.f32 v9, v1;
	[tilespmem:s22+$0x1000] =	vst v5;
	v5 =	vcvt.s32.f32 v5;
	v12 =	vmul.f32 v12, v2  }
0xb4: {  	v14 =	vtrunc.f32 v14;
	v19 =	vsub.f32 v6, v11;
	v6 =	vtrunc.f32 v17  }
0xb5: {  	v18 =	vld [tilespmem:s23+$0x50];
	v14 =	vcvt.f32.s32 v14;
	v6 =	vcvt.f32.s32 v6  }
0xb6: {  	v7 =	vsub.f32 v7, v9;
	v5 =	vmul.f32 v5, v2;
	v12 =	vadd.f32 v12, v1  }
0xb7: {  	vm15 =	vgt.s32 v14, $0x0;
	v11 =	vmul.f32 v16, v4;
	vm4 =	vgt.s32 v6, $0x0  }
0xb8: {  	v5 =	vadd.f32 v5, v1;
	v23 =	vsub.f32 v8, v12;
	v14 =	vnsel vm15, $0x0, v14  }
0xb9: {  	[tilespmem:s23+$0xFFFFFFC0] =	vst v19;
	v6 =	vnsel vm4, $0x0, v6;
	v9 =	vmin.u32 v14, $0x6;
	v11 =	vadd.f32 v11, v3  }
0xba: {  	v14 =	vmul.f32 v18, v4;
	v21 =	vmin.u32 v6, $0x6;
	[tilespmem:s22+$0xFFFFF400] =	vst v9;
	v9 =	vcvt.s32.f32 v9  }
0xbb: {  	[tilespmem:s23+$0xFFFFFF80] =	vst v7;
	v6 =	vsub.f32 v10, v5;
	v10 =	vcvt.s32.f32 v21;
	v17 =	vld [tilespmem:s23+$0xFFFFFFE0];
	v20 =	vtrunc.f32 v11  }
0xbc: {  	[tilespmem:s22+$0xFFFFE400] =	vst v21;
	v21 =	vmul.f32 v19, v19;
	v14 =	vadd.f32 v14, v3;
	v8 =	vcvt.f32.s32 v20  }
0xbd: {  	v9 =	vmul.f32 v9, v2;
	v20 =	vmul.f32 v7, v7  }
0xbe: {  	v11 =	vimm.f32 $0.0e+00;
	v10 =	vmul.f32 v10, v2;
	v5 =	vtrunc.f32 v14;
	v14 =	vld [tilespmem:s23+$0xFFFFFFA0]  }
0xbf: {  	v7 =	vadd.f32 v7, v11;
	vm5 =	vgt.s32 v8, $0x0;
	v5 =	vcvt.f32.s32 v5  }
0xc0: {  	v9 =	vadd.f32 v9, v1;
	v10 =	vadd.f32 v10, v1;
	v12 =	vmul.f32 v17, v4  }
0xc1: {  	v7 =	vadd.f32 v19, v7;
	v20 =	vadd.f32 v20, v11;
	v8 =	vnsel vm5, $0x0, v8  }
0xc2: {  	v8 =	vmin.u32 v8, $0x6;
	vm6 =	vgt.s32 v5, $0x0;
	v12 =	vadd.f32 v12, v3  }
0xc3: {  	v9 =	vsub.f32 v13, v9;
	v10 =	vsub.f32 v15, v10;
	v22 =	vmul.f32 v14, v4  }
0xc4: {  	[tilespmem:s23+$0x0] =	vst v23;
	v7 =	vadd.f32 v23, v7;
	v5 =	vnsel vm6, $0x0, v5;
	v12 =	vtrunc.f32 v12  }
0xc5: {  	[tilespmem:s22+$0x400] =	vst v8;
	v8 =	vcvt.s32.f32 v8;
	v13 =	vadd.f32 v22, v3;
	v12 =	vcvt.f32.s32 v12  }
0xc6: {  	v20 =	vadd.f32 v21, v20;
	v23 =	vmul.f32 v23, v23;
	v5 =	vmin.u32 v5, $0x6;
	v22 =	vld [tilespmem:s23+$0x20]  }
0xc7: {  	[tilespmem:s23+$0x40] =	vst v6;
	v8 =	vmul.f32 v8, v2;
	v13 =	vtrunc.f32 v13;
	vm7 =	vgt.s32 v12, $0x0  }
0xc8: {  	[tilespmem:s23+$0xFFFFFFD0] =	vst v9;
	v15 =	vadd.f32 v10, v11;
	v13 =	vcvt.f32.s32 v13;
	v12 =	vnsel vm7, $0x0, v12  }
0xc9: {  	[tilespmem:s22+$0x1400] =	vst v5;
	v24 =	vcvt.s32.f32 v5;
	v8 =	vadd.f32 v8, v1;
	v5 =	vmin.u32 v12, $0x6  }
0xca: {  	v20 =	vadd.f32 v23, v20;
	v15 =	vadd.f32 v9, v15;
	vm8 =	vgt.s32 v13, $0x0;
	[tilespmem:s22+$0xFFFFF800] =	vst v5  }
0xcb: {  	v8 =	vsub.f32 v16, v8;
	v26 =	vmul.f32 v22, v4;
	v13 =	vnsel vm8, $0x0, v13;
	v27 =	vld [tilespmem:s23+$0xFFFFFFF0]  }
0xcc: {  	[tilespmem:s23+$0xFFFFFF90] =	vst v10;
	v25 =	vld [tilespmem:s23+$0x60];
	v12 =	vmul.f32 v10, v10;
	v10 =	vmin.u32 v13, $0x6;
	v13 =	vcvt.s32.f32 v5  }
0xcd: {  	v9 =	vmul.f32 v9, v9;
	v16 =	vadd.f32 v26, v3;
	v26 =	vmul.f32 v8, v8;
	[tilespmem:s22+$0xFFFFE800] =	vst v10  }
0xce: {  	v15 =	vadd.f32 v8, v15;
	v19 =	vcvt.s32.f32 v10;
	v5 =	vld [tilespmem:s23+$0xFFFFFFB0];
	v10 =	vmul.f32 v13, v2  }
0xcf: {  	v12 =	vadd.f32 v12, v11;
	v13 =	vtrunc.f32 v16;
	v16 =	vmul.f32 v24, v2  }
0xd0: {  	v13 =	vcvt.f32.s32 v13;
	v10 =	vadd.f32 v10, v1;
	v28 =	vmul.f32 v27, v4  }
0xd1: {  	[tilespmem:s23+$0x10] =	vst v8;
	v8 =	vadd.f32 v6, v7;
	v24 =	vmul.f32 v25, v4;
	v16 =	vadd.f32 v16, v1  }
0xd2: {  	vm9 =	vgt.s32 v13, $0x0;
	v10 =	vsub.f32 v17, v10;
	v17 =	vadd.f32 v28, v3  }
0xd3: {  	v7 =	vadd.f32 v9, v12;
	v13 =	vnsel vm9, $0x0, v13;
	v28 =	vmul.f32 v5, v4  }
0xd4: {  	v18 =	vsub.f32 v18, v16;
	v9 =	vmin.u32 v13, $0x6;
	v16 =	vtrunc.f32 v17  }
0xd5: {  	[tilespmem:s22+$0x800] =	vst v9;
	v9 =	vcvt.s32.f32 v9;
	v17 =	vadd.f32 v28, v3;
	v28 =	vcvt.f32.s32 v16  }
0xd6: {  	v19 =	vmul.f32 v19, v2;
	v24 =	vadd.f32 v24, v3;
	v7 =	vadd.f32 v26, v7;
	v16 =	vld [tilespmem:s23+$0x30]  }
0xd7: {  	v9 =	vmul.f32 v9, v2;
	v12 =	vtrunc.f32 v17;
	vm10 =	vgt.s32 v28, $0x0  }
0xd8: {  	v24 =	vtrunc.f32 v24;
	v12 =	vcvt.f32.s32 v12;
	v17 =	vnsel vm10, $0x0, v28  }
0xd9: {  	v13 =	vadd.f32 v19, v1;
	v9 =	vadd.f32 v9, v1;
	v17 =	vmin.u32 v17, $0x6  }
0xda: {  	v29 =	vmul.f32 v18, v18;
	vm11 =	vgt.s32 v12, $0x0;
	v19 =	vcvt.s32.f32 v17  }
0xdb: {  	v22 =	vsub.f32 v22, v9;
	v9 =	vcvt.f32.s32 v24;
	v30 =	vmul.f32 v16, v4  }
0xdc: {  	v15 =	vadd.f32 v18, v15;
	v12 =	vnsel vm11, $0x0, v12;
	v19 =	vmul.f32 v19, v2  }
0xdd: {  	v12 =	vmin.u32 v12, $0x6;
	vm12 =	vgt.s32 v9, $0x0;
	v30 =	vadd.f32 v30, v3  }
0xde: {  	v9 =	vnsel vm12, $0x0, v9;
	v24 =	vadd.f32 v19, v1;
	v19 =	vsub.f32 v14, v13  }
0xdf: {  	v28 =	vmul.f32 v10, v10;
	v31 =	vcvt.s32.f32 v12;
	v9 =	vmin.u32 v9, $0x6  }
0xe0: {  	v23 =	vtrunc.f32 v30;
	v13 =	vsub.f32 v27, v24;
	v21 =	vadd.f32 v19, v11;
	v27 =	vld [tilespmem:s24+$0xFFFFFFC0]  }
0xe1: {  	[tilespmem:s23+$0x50] =	vst v18;
	v14 =	vmul.f32 v31, v2;
	v31 =	vld [tilespmem:s24+$0x0];
	v33 =	vcvt.f32.s32 v23;
	v23 =	vadd.f32 v29, v7  }
0xe2: {  	[tilespmem:s22+$0x1800] =	vst v9;
	v30 =	vld [tilespmem:s24+$0x40];
	v18 =	vadd.f32 v10, v21;
	v21 =	vcvt.s32.f32 v9;
	v9 =	vmul.f32 v6, v6  }
0xe3: {  	v24 =	vadd.f32 v14, v1;
	v26 =	vmul.f32 v19, v19;
	vm1 =	vgt.s32 v33, $0x0;
	v6 =	vld [tilespmem:s23+$0x70]  }
0xe4: {  	v14 =	vmul.f32 v13, v13;
	v20 =	vadd.f32 v9, v20;
	v9 =	vmul.f32 v21, v2  }
0xe5: {  	v7 =	vadd.f32 v26, v11;
	v26 =	vmul.f32 v22, v22;
	v21 =	vmul.f32 v27, v4  }
0xe6: {  	v33 =	vnsel vm1, $0x0, v33;
	v29 =	vmul.f32 v31, v4;
	v9 =	vadd.f32 v9, v1  }
0xe7: {  	v46 =	vmul.f32 v30, v4;
	v18 =	vadd.f32 v22, v18;
	v21 =	vadd.f32 v21, v3  }
0xe8: {  	v7 =	vadd.f32 v28, v7;
	v35 =	vmul.f32 v6, v4;
	v25 =	vsub.f32 v25, v9  }
0xe9: {  	v9 =	vtrunc.f32 v21;
	v21 =	vadd.f32 v29, v3;
	v29 =	vadd.f32 v34, v3  }
0xea: {  	v35 =	vadd.f32 v35, v3;
	v9 =	vcvt.f32.s32 v9;
	v36 =	vmul.f32 v25, v25  }
0xeb: {  	v7 =	vadd.f32 v26, v7;
	v21 =	vtrunc.f32 v21;
	v29 =	vtrunc.f32 v29  }
0xec: {  	v47 =	vtrunc.f32 v35;
	vm13 =	vgt.s32 v9, $0x0;
	v28 =	vcvt.f32.s32 v29  }
0xed: {  	v29 =	vadd.f32 v46, v3;
	v21 =	vcvt.f32.s32 v21;
	v9 =	vnsel vm13, $0x0, v9  }
0xee: {  	v18 =	vadd.f32 v25, v18;
	v34 =	vcvt.f32.s32 v47;
	v9 =	vmin.u32 v9, $0x6  }
0xef: {  	s25 =	sadd.s32 $0x4000, s22;
	vm14 =	vgt.s32 v28, $0x0;
	v26 =	vtrunc.f32 v29;
	vm15 =	vgt.s32 v21, $0x0  }
0xf0: {  	vm6 =	vgt.s32 v34, $0x0;
	[tilespmem:s25+$0xFFFFF000] =	vst v9;
	v28 =	vnsel vm14, $0x0, v28;
	v26 =	vcvt.f32.s32 v26  }
0xf1: {  	v9 =	vcvt.s32.f32 v9;
	v21 =	vnsel vm15, $0x0, v21;
	v34 =	vnsel vm6, $0x0, v34;
	v29 =	vld [tilespmem:s24+$0xFFFFFFD0]  }
0xf2: {  	v28 =	vmin.u32 v28, $0x6;
	v21 =	vmin.u32 v21, $0x6;
	v34 =	vmin.u32 v34, $0x6  }
0xf3: {  	[tilespmem:s25+$0xFFFFE000] =	vst v28;
	vm4 =	vgt.s32 v26, $0x0;
	v28 =	vcvt.s32.f32 v28;
	v37 =	vcvt.s32.f32 v21  }
0xf4: {  	v9 =	vmul.f32 v9, v2;
	[tilespmem:s25+$0x0] =	vst v21;
	v43 =	vcvt.s32.f32 v34;
	v48 =	vld [tilespmem:s24+$0xFFFFFF90];
	v26 =	vnsel vm4, $0x0, v26  }
0xf5: {  	v26 =	vmin.u32 v26, $0x6;
	v28 =	vmul.f32 v28, v2;
	v49 =	vmul.f32 v37, v2;
	v37 =	vld [tilespmem:s24+$0x10]  }
0xf6: {  	v9 =	vadd.f32 v9, v1;
	v21 =	vcvt.s32.f32 v26;
	[tilespmem:s25+$0x1000] =	vst v26;
	v38 =	vmul.f32 v29, v4  }
0xf7: {  	v7 =	vadd.f32 v36, v7;
	v62 =	vmul.f32 v43, v2;
	v26 =	vadd.f32 v28, v1;
	v39 =	vld [tilespmem:s24+$0x50]  }
0xf8: {  	v40 =	vsub.f32 v27, v9;
	v21 =	vmul.f32 v21, v2;
	v38 =	vadd.f32 v38, v3  }
0xf9: {  	v50 =	vadd.f32 v49, v1;
	v28 =	vmul.f32 v48, v4;
	v26 =	vsub.f32 v32, v26  }
0xfa: {  	v21 =	vadd.f32 v21, v1;
	v51 =	vmul.f32 v37, v4;
	v9 =	vtrunc.f32 v38  }
0xfb: {  	v27 =	vadd.f32 v28, v3;
	v28 =	vmin.u32 v33, $0x6;
	v9 =	vcvt.f32.s32 v9  }
0xfc: {  	v8 =	vadd.f32 v26, v8;
	v53 =	vmul.f32 v39, v4;
	v33 =	vadd.f32 v51, v3  }
0xfd: {  	v56 =	vcvt.s32.f32 v28;
	v27 =	vtrunc.f32 v27;
	vm5 =	vgt.s32 v9, $0x0  }
0xfe: {  	v52 =	vcvt.f32.s32 v27;
	v27 =	vsub.f32 v31, v50;
	v9 =	vnsel vm5, $0x0, v9  }
0xff: {  	[tilespmem:s24+$0xFFFFFFC0] =	vst v40;
	v38 =	vmul.f32 v56, v2;
	v50 =	vadd.f32 v40, v8;
	v41 =	vmin.u32 v9, $0x6  }
0x100: {  	v40 =	vmul.f32 v40, v40;
	v9 =	vsub.f32 v30, v21;
	vm7 =	vgt.s32 v52, $0x0;
	[tilespmem:s25+$0xFFFFF400] =	vst v41  }
0x101: {  	v21 =	vadd.f32 v53, v3;
	v30 =	vtrunc.f32 v33;
	v33 =	vmul.f32 v26, v26;
	v54 =	vld [tilespmem:s24+$0xFFFFFFE0]  }
0x102: {  	[tilespmem:s24+$0xFFFFFF80] =	vst v26;
	v38 =	vadd.f32 v38, v1;
	v31 =	vnsel vm7, $0x0, v52;
	v30 =	vcvt.f32.s32 v30  }
0x103: {  	[tilespmem:s24+$0x0] =	vst v27;
	v55 =	vcvt.s32.f32 v41;
	v31 =	vmin.u32 v31, $0x6;
	v21 =	vtrunc.f32 v21  }
0x104: {  	v16 =	vsub.f32 v16, v38;
	v38 =	vadd.f32 v27, v50;
	v27 =	vmul.f32 v27, v27;
	[tilespmem:s25+$0xFFFFE400] =	vst v31  }
0x105: {  	v57 =	vcvt.s32.f32 v31;
	vm8 =	vgt.s32 v30, $0x0;
	v21 =	vcvt.f32.s32 v21;
	v31 =	vld [tilespmem:s24+$0xFFFFFFA0]  }
0x106: {  	v36 =	vmul.f32 v55, v2;
	v30 =	vnsel vm8, $0x0, v30;
	v42 =	vmul.f32 v54, v4  }
0x107: {  	v55 =	vsub.f32 v5, v24;
	v41 =	vmul.f32 v57, v2;
	v30 =	vmin.u32 v30, $0x6  }
0x108: {  	vm9 =	vgt.s32 v21, $0x0;
	v36 =	vadd.f32 v36, v1;
	v42 =	vadd.f32 v42, v3  }
0x109: {  	v21 =	vnsel vm9, $0x0, v21;
	v60 =	vcvt.s32.f32 v30;
	v41 =	vadd.f32 v41, v1  }
0x10a: {  	[tilespmem:s25+$0x400] =	vst v30;
	v61 =	vmin.u32 v21, $0x6;
	v58 =	vmul.f32 v31, v4;
	v42 =	vtrunc.f32 v42  }
0x10b: {  	v30 =	vld [tilespmem:s24+$0x20];
	v44 =	vcvt.s32.f32 v61;
	v35 =	vsub.f32 v48, v41;
	v59 =	vcvt.f32.s32 v42  }
0x10c: {  	v32 =	vmul.f32 v16, v16;
	v29 =	vsub.f32 v29, v36;
	v26 =	vadd.f32 v58, v3  }
0x10d: {  	[tilespmem:s24+$0x40] =	vst v9;
	v44 =	vmul.f32 v44, v2;
	v63 =	vadd.f32 v35, v15;
	vm10 =	vgt.s32 v59, $0x0  }
0x10e: {  	[tilespmem:s24+$0xFFFFFF90] =	vst v35;
	v35 =	vmul.f32 v35, v35;
	v21 =	vtrunc.f32 v26;
	v36 =	vnsel vm10, $0x0, v59  }
0x10f: {  	[tilespmem:s24+$0xFFFFFFD0] =	vst v29;
	v26 =	vmul.f32 v60, v2;
	v21 =	vcvt.f32.s32 v21;
	v15 =	vmin.u32 v36, $0x6  }
0x110: {  	v49 =	vmul.f32 v30, v4;
	v35 =	vadd.f32 v35, v23;
	v42 =	vadd.f32 v29, v63;
	[tilespmem:s25+$0xFFFFF800] =	vst v15  }
0x111: {  	[tilespmem:s25+$0x1400] =	vst v61;
	v29 =	vmul.f32 v29, v29;
	v26 =	vadd.f32 v26, v1;
	vm11 =	vgt.s32 v21, $0x0;
	v51 =	vld [tilespmem:s24+$0xFFFFFFF0]  }
0x112: {  	v60 =	vadd.f32 v55, v11;
	v36 =	vcvt.s32.f32 v15;
	v48 =	vnsel vm11, $0x0, v21;
	v15 =	vld [tilespmem:s24+$0x60]  }
0x113: {  	v37 =	vsub.f32 v37, v26;
	v26 =	vadd.f32 v49, v3;
	v8 =	vmin.u32 v48, $0x6  }
0x114: {  	v29 =	vadd.f32 v29, v35;
	v36 =	vmul.f32 v36, v2;
	[tilespmem:s25+$0xFFFFE800] =	vst v8;
	v52 =	vcvt.s32.f32 v8  }
0x115: {  	[tilespmem:s23+$0xFFFFFFE0] =	vst v10;
	v21 =	vadd.f32 v62, v1;
	v45 =	vtrunc.f32 v26;
	v23 =	vmul.f32 v37, v37;
	v8 =	vld [tilespmem:s24+$0xFFFFFFB0]  }
0x116: {  	[tilespmem:s23+$0x20] =	vst v22;
	v53 =	vcvt.f32.s32 v45;
	v36 =	vadd.f32 v36, v1;
	v5 =	vmul.f32 v51, v4  }
0x117: {  	[tilespmem:s23+$0xFFFFFFA0] =	vst v19;
	v19 =	vadd.f32 v37, v42;
	v22 =	vmul.f32 v52, v2;
	v10 =	vmul.f32 v15, v4  }
0x118: {  	vm12 =	vgt.s32 v53, $0x0;
	v26 =	vsub.f32 v54, v36;
	v5 =	vadd.f32 v5, v3  }
0x119: {  	[tilespmem:s22+$0xFFFFFC00] =	vst v17;
	v54 =	vadd.f32 v44, v1;
	v17 =	vnsel vm12, $0x0, v53;
	v10 =	vadd.f32 v10, v3  }
0x11a: {  	[tilespmem:s24+$0x10] =	vst v37;
	v17 =	vmin.u32 v17, $0x6;
	v24 =	vmul.f32 v8, v4;
	v5 =	vtrunc.f32 v5  }
0x11b: {  	v58 =	vadd.f32 v22, v1;
	v36 =	vsub.f32 v39, v54;
	[tilespmem:s25+$0x800] =	vst v17;
	v56 =	vcvt.f32.s32 v5  }
0x11c: {  	[tilespmem:s22+$0xFFFFEC00] =	vst v12;
	v17 =	vcvt.s32.f32 v17;
	v10 =	vtrunc.f32 v10;
	v12 =	vld [tilespmem:s24+$0x30];
	v24 =	vadd.f32 v24, v3  }
0x11d: {  	[tilespmem:s23+$0xFFFFFFF0] =	vst v13;
	v59 =	vcvt.f32.s32 v10;
	v10 =	vadd.f32 v36, v19;
	vm13 =	vgt.s32 v56, $0x0  }
0x11e: {  	[tilespmem:s23+$0x60] =	vst v25;
	v17 =	vmul.f32 v17, v2;
	v57 =	vtrunc.f32 v24;
	v25 =	vnsel vm13, $0x0, v56  }
0x11f: {  	[tilespmem:s22+$0xC00] =	vst v28;
	v19 =	vadd.f32 v33, v20;
	v28 =	vcvt.f32.s32 v57;
	v20 =	vmin.u32 v25, $0x6  }
0x120: {  	[tilespmem:s22+$0x1C00] =	vst v34;
	v22 =	vmul.f32 v36, v36;
	v17 =	vadd.f32 v17, v1;
	v25 =	vcvt.s32.f32 v20  }
0x121: {  	[tilespmem:s23+$0x30] =	vst v16;
	v5 =	vadd.f32 v9, v38;
	v61 =	vmul.f32 v12, v4;
	vm14 =	vgt.s32 v28, $0x0  }
0x122: {  	[tilespmem:s23+$0xFFFFFFB0] =	vst v55;
	v30 =	vsub.f32 v30, v17;
	v28 =	vnsel vm14, $0x0, v28;
	v25 =	vmul.f32 v25, v2  }
0x123: {  	[tilespmem:s24+$0xFFFFFFE0] =	vst v26;
	v17 =	vsub.f32 v31, v58;
	v62 =	vmin.u32 v28, $0x6;
	v28 =	vmul.f32 v55, v55  }
0x124: {  	[tilespmem:s24+$0x50] =	vst v36;
	v31 =	vadd.f32 v40, v19;
	v63 =	vcvt.s32.f32 v62;
	v25 =	vadd.f32 v25, v1  }
0x125: {  	v24 =	vmul.f32 v26, v26;
	v33 =	vadd.f32 v61, v3;
	[tilespmem:s25+$0xFFFFFC00] =	vst v20;
	v11 =	vadd.f32 v28, v11  }
0x126: {  	[tilespmem:s24+$0x20] =	vst v30;
	v19 =	vadd.f32 v17, v18;
	v34 =	vmul.f32 v63, v2;
	v20 =	vsub.f32 v51, v25  }
0x127: {  	vm15 =	vgt.s32 v59, $0x0;
	[tilespmem:s24+$0xFFFFFFA0] =	vst v17;
	v18 =	vadd.f32 v13, v60;
	v28 =	vadd.f32 v14, v11  }
0x128: {  	s28 =	simm.s32 $0x10;
	s29 =	simm.s32 $0x2280;
	s26 =	smov.u32 s25;
	[tilespmem:s25+$0xFFFFEC00] =	vst v62;
	v14 =	vadd.f32 v34, v1;
	v34 =	vnsel vm15, $0x0, v59;
	v11 =	vmul.f32 v20, v20  }
.LBB2_7:
0x129: {  	v25 =	vld [tilespmem:s29+$0x0];
	s28 =	sadd.s32 $0x10, s28;
	v19 =	vadd.f32 v26, v19;
	[tilespmem:s24+$0xFFFFFFF0] =	vst v20;
	v26 =	vmin.u32 v34, $0x6;
	v21 =	vsub.f32 v6, v21;
	v13 =	vmovc v20  }
0x12a: {  	v34 =	vld [tilespmem:s29+$0xFFFFFFC0];
	p0 =	slt.u32 s28, $0x30;
	v20 =	vadd.f32 v27, v31;
	v27 =	vcvt.s32.f32 v26;
	[tilespmem:s25+$0x1800] =	vst v26;
	v16 =	vadd.f32 v16, v18  }
0x12b: {  	v23 =	vadd.f32 v23, v29;
	v9 =	vmul.f32 v9, v9;
	v26 =	vtrunc.f32 v33;
	v6 =	vld [tilespmem:s24+$0x70];
	[tilespmem:s23+$0x70] =	vst v21;
	s23 =	smov.u32 s24;
	s24 =	smov.u32 s29  }
0x12c: {  	v28 =	vadd.f32 v32, v28;
	v29 =	vld [tilespmem:s29+$0xFFFFFF80];
	v18 =	vadd.f32 v21, v16;
	v16 =	vmul.f32 v21, v21  }
0x12d: {  	v31 =	vmul.f32 v17, v17;
	v20 =	vadd.f32 v9, v20;
	v9 =	vmul.f32 v27, v2;
	v21 =	vld [tilespmem:s29+$0x40]  }
0x12e: {  	v26 =	vcvt.f32.s32 v26;
	v22 =	vadd.f32 v22, v23;
	v17 =	vadd.f32 v16, v28  }
0x12f: {  	v7 =	vadd.f32 v31, v7;
	v16 =	vmul.f32 v30, v30;
	v9 =	vadd.f32 v9, v1  }
0x130: {  	v19 =	vadd.f32 v30, v19;
	v23 =	vmul.f32 v25, v4;
	v27 =	vmul.f32 v6, v4  }
0x131: {  	v30 =	vmul.f32 v34, v4;
	v9 =	vsub.f32 v15, v9;
	v28 =	vmul.f32 v29, v4  }
0x132: {  	v15 =	vadd.f32 v23, v3;
	v23 =	vmul.f32 v21, v4;
	v27 =	vadd.f32 v27, v3  }
0x133: {  	v30 =	vadd.f32 v30, v3;
	v31 =	vmul.f32 v9, v9;
	v28 =	vadd.f32 v28, v3;
	[tilespmem:s23+$0x60] =	vst v9  }
0x134: {  	v7 =	vadd.f32 v24, v7;
	v15 =	vtrunc.f32 v15;
	v23 =	vadd.f32 v23, v3  }
0x135: {  	v19 =	vadd.f32 v9, v19;
	v24 =	vtrunc.f32 v28;
	v28 =	vtrunc.f32 v30  }
0x136: {  	v7 =	vadd.f32 v16, v7;
	v15 =	vcvt.f32.s32 v15;
	v9 =	vcvt.f32.s32 v28  }
0x137: {  	s25 =	sadd.s32 $0x4000, s25;
	vm0 =	vgt.s32 v26, $0x0;
	v16 =	vcvt.f32.s32 v24;
	v23 =	vtrunc.f32 v23  }
0x138: {  	v27 =	vtrunc.f32 v27;
	v23 =	vcvt.f32.s32 v23;
	vm1 =	vgt.s32 v9, $0x0  }
0x139: {  	vm2 =	vgt.s32 v16, $0x0;
	v9 =	vnsel vm1, $0x0, v9;
	vm1 =	vgt.s32 v15, $0x0  }
0x13a: {  	v16 =	vnsel vm2, $0x0, v16;
	vm2 =	vgt.s32 v23, $0x0;
	v9 =	vmin.u32 v9, $0x6  }
0x13b: {  	v16 =	vmin.u32 v16, $0x6;
	v24 =	vcvt.s32.f32 v9;
	[tilespmem:s25+$0xFFFFF000] =	vst v9;
	v9 =	vnsel vm1, $0x0, v15  }
0x13c: {  	v23 =	vnsel vm2, $0x0, v23;
	v15 =	vcvt.s32.f32 v16;
	[tilespmem:s25+$0xFFFFE000] =	vst v16;
	v16 =	vld [tilespmem:s29+$0xFFFFFFD0];
	v9 =	vmin.u32 v9, $0x6  }
0x13d: {  	v32 =	vmin.u32 v23, $0x6;
	v30 =	vld [tilespmem:s29+$0xFFFFFF90];
	v24 =	vmul.f32 v24, v2;
	v28 =	vcvt.s32.f32 v9  }
0x13e: {  	v7 =	vadd.f32 v31, v7;
	v15 =	vmul.f32 v15, v2;
	[tilespmem:s25+$0x0] =	vst v9;
	v9 =	vcvt.s32.f32 v32  }
0x13f: {  	v26 =	vnsel vm0, $0x0, v26;
	v31 =	vadd.f32 v24, v1;
	v28 =	vmul.f32 v28, v2;
	v23 =	vld [tilespmem:s29+$0x10];
	[tilespmem:s25+$0x1000] =	vst v32  }
0x140: {  	v15 =	vadd.f32 v15, v1;
	v32 =	vcvt.f32.s32 v27;
	v9 =	vmul.f32 v9, v2;
	v24 =	vld [tilespmem:s29+$0x50]  }
0x141: {  	v26 =	vmin.u32 v26, $0x6;
	v33 =	vsub.f32 v34, v31;
	v27 =	vmul.f32 v16, v4  }
0x142: {  	v15 =	vsub.f32 v29, v15;
	v28 =	vadd.f32 v28, v1;
	v29 =	vmul.f32 v30, v4;
	[tilespmem:s26+$0xC00] =	vst v26  }
0x143: {  	vm0 =	vgt.s32 v32, $0x0;
	v9 =	vadd.f32 v9, v1;
	[tilespmem:s29+$0xFFFFFFC0] =	vst v33;
	v27 =	vadd.f32 v27, v3  }
0x144: {  	v25 =	vsub.f32 v25, v28;
	[tilespmem:s29+$0xFFFFFF80] =	vst v15;
	v29 =	vadd.f32 v29, v3;
	v28 =	vmul.f32 v23, v4  }
0x145: {  	v9 =	vsub.f32 v21, v9;
	v27 =	vtrunc.f32 v27;
	v21 =	vmul.f32 v24, v4  }
0x146: {  	v29 =	vtrunc.f32 v29;
	v31 =	vcvt.f32.s32 v27;
	[tilespmem:s29+$0x0] =	vst v25;
	v28 =	vadd.f32 v28, v3  }
0x147: {  	v27 =	vmul.f32 v15, v15;
	v29 =	vcvt.f32.s32 v29;
	[tilespmem:s29+$0x40] =	vst v9;
	v21 =	vadd.f32 v21, v3  }
0x148: {  	v32 =	vnsel vm0, $0x0, v32;
	vm1 =	vgt.s32 v31, $0x0;
	v28 =	vtrunc.f32 v28  }
0x149: {  	vm0 =	vgt.s32 v29, $0x0;
	v31 =	vnsel vm1, $0x0, v31;
	v21 =	vtrunc.f32 v21  }
0x14a: {  	v34 =	vcvt.f32.s32 v28;
	v29 =	vnsel vm0, $0x0, v29;
	v31 =	vmin.u32 v31, $0x6  }
0x14b: {  	v26 =	vcvt.s32.f32 v26;
	v28 =	vmin.u32 v29, $0x6;
	v29 =	vcvt.s32.f32 v31;
	[tilespmem:s25+$0xFFFFF400] =	vst v31  }
0x14c: {  	v21 =	vcvt.f32.s32 v21;
	vm0 =	vgt.s32 v34, $0x0;
	v31 =	vcvt.s32.f32 v28;
	[tilespmem:s25+$0xFFFFE400] =	vst v28;
	v35 =	vld [tilespmem:s29+$0xFFFFFFE0]  }
0x14d: {  	v32 =	vmin.u32 v32, $0x6;
	v34 =	vnsel vm0, $0x0, v34;
	v28 =	vld [tilespmem:s29+$0xFFFFFFA0];
	v29 =	vmul.f32 v29, v2  }
0x14e: {  	vm0 =	vgt.s32 v21, $0x0;
	v34 =	vmin.u32 v34, $0x6;
	v36 =	vmul.f32 v31, v2;
	[tilespmem:s26+$0x1C00] =	vst v32;
	s26 =	smov.u32 s25  }
0x14f: {  	v26 =	vmul.f32 v26, v2;
	v31 =	vmul.f32 v33, v33;
	v29 =	vadd.f32 v29, v1  }
0x150: {  	v21 =	vnsel vm0, $0x0, v21;
	v32 =	vcvt.s32.f32 v32;
	v36 =	vadd.f32 v36, v1  }
0x151: {  	v26 =	vadd.f32 v26, v1;
	v29 =	vsub.f32 v16, v29;
	v16 =	vmul.f32 v35, v4  }
0x152: {  	v5 =	vadd.f32 v15, v5;
	v30 =	vsub.f32 v30, v36;
	v15 =	vmul.f32 v28, v4  }
0x153: {  	v37 =	vcvt.s32.f32 v34;
	v36 =	vadd.f32 v16, v3;
	[tilespmem:s25+$0x400] =	vst v34;
	v16 =	vsub.f32 v12, v26  }
0x154: {  	v12 =	vadd.f32 v15, v3;
	[tilespmem:s29+$0xFFFFFFD0] =	vst v29;
	v34 =	vld [tilespmem:s29+$0x20];
	v15 =	vmin.u32 v21, $0x6;
	v21 =	vmul.f32 v32, v2  }
0x155: {  	v10 =	vadd.f32 v30, v10;
	v32 =	vmul.f32 v37, v2;
	[tilespmem:s29+$0xFFFFFF90] =	vst v30;
	v26 =	vtrunc.f32 v36  }
0x156: {  	v12 =	vtrunc.f32 v12;
	v26 =	vcvt.f32.s32 v26;
	[tilespmem:s25+$0x1400] =	vst v15;
	v21 =	vadd.f32 v21, v1  }
0x157: {  	v36 =	vcvt.s32.f32 v15;
	v32 =	vadd.f32 v32, v1;
	v12 =	vcvt.f32.s32 v12;
	v15 =	vld [tilespmem:s29+$0x60];
	[tilespmem:s23+$0x30] =	vst v16  }
0x158: {  	v5 =	vadd.f32 v33, v5;
	v30 =	vmul.f32 v30, v30;
	vm0 =	vgt.s32 v26, $0x0  }
0x159: {  	vm1 =	vgt.s32 v12, $0x0;
	v26 =	vnsel vm0, $0x0, v26;
	v33 =	vmul.f32 v34, v4  }
0x15a: {  	v32 =	vsub.f32 v23, v32;
	v12 =	vnsel vm1, $0x0, v12;
	v26 =	vmin.u32 v26, $0x6  }
0x15b: {  	v12 =	vmin.u32 v12, $0x6;
	v37 =	vcvt.s32.f32 v26;
	[tilespmem:s25+$0xFFFFF800] =	vst v26;
	v26 =	vadd.f32 v33, v3  }
0x15c: {  	v10 =	vadd.f32 v29, v10;
	v23 =	vmul.f32 v32, v32;
	v33 =	vcvt.s32.f32 v12;
	[tilespmem:s25+$0xFFFFE800] =	vst v12;
	v38 =	vld [tilespmem:s29+$0xFFFFFFF0]  }
0x15d: {  	v5 =	vadd.f32 v25, v5;
	v12 =	vld [tilespmem:s29+$0xFFFFFFB0];
	v37 =	vmul.f32 v37, v2;
	[tilespmem:s29+$0x10] =	vst v32;
	v26 =	vtrunc.f32 v26  }
0x15e: {  	v22 =	vadd.f32 v30, v22;
	v30 =	vmul.f32 v36, v2;
	v36 =	vmul.f32 v15, v4  }
0x15f: {  	v33 =	vmul.f32 v33, v2;
	v39 =	vcvt.f32.s32 v26;
	v37 =	vadd.f32 v37, v1  }
0x160: {  	v29 =	vmul.f32 v29, v29;
	v30 =	vadd.f32 v30, v1;
	v36 =	vadd.f32 v36, v3  }
0x161: {  	v10 =	vadd.f32 v32, v10;
	v26 =	vsub.f32 v35, v37;
	v35 =	vmul.f32 v38, v4  }
0x162: {  	v14 =	vsub.f32 v8, v14;
	vm0 =	vgt.s32 v39, $0x0;
	v32 =	vmul.f32 v12, v4;
	v8 =	vmovc v12  }
0x163: {  	v30 =	vsub.f32 v24, v30;
	[tilespmem:s29+$0xFFFFFFE0] =	vst v26;
	v12 =	vadd.f32 v35, v3;
	v35 =	vtrunc.f32 v36  }
0x164: {  	v5 =	vadd.f32 v9, v5;
	v24 =	vadd.f32 v32, v3;
	v32 =	vnsel vm0, $0x0, v39;
	[tilespmem:s23+$0xFFFFFFB0] =	vst v14  }
0x165: {  	v29 =	vadd.f32 v29, v22;
	v12 =	vtrunc.f32 v12;
	v32 =	vmin.u32 v32, $0x6;
	[tilespmem:s29+$0x50] =	vst v30  }
0x166: {  	v36 =	vtrunc.f32 v24;
	v37 =	vcvt.f32.s32 v12;
	[tilespmem:s25+$0x800] =	vst v32  }
0x167: {  	v22 =	vmul.f32 v30, v30;
	v39 =	vadd.f32 v33, v1;
	v24 =	vmul.f32 v26, v26;
	v12 =	vld [tilespmem:s29+$0x30]  }
0x168: {  	v35 =	vcvt.f32.s32 v35;
	v32 =	vcvt.s32.f32 v32;
	vm0 =	vgt.s32 v37, $0x0  }
0x169: {  	v10 =	vadd.f32 v30, v10;
	v33 =	vcvt.f32.s32 v36;
	v36 =	vnsel vm0, $0x0, v37  }
0x16a: {  	v20 =	vadd.f32 v27, v20;
	v30 =	vmul.f32 v32, v2;
	v27 =	vmin.u32 v36, $0x6  }
0x16b: {  	v18 =	vadd.f32 v14, v18;
	vm0 =	vgt.s32 v33, $0x0;
	v32 =	vcvt.s32.f32 v27;
	[tilespmem:s25+$0xFFFFFC00] =	vst v27  }
0x16c: {  	v30 =	vadd.f32 v30, v1;
	v27 =	vnsel vm0, $0x0, v33;
	v33 =	vmul.f32 v12, v4  }
0x16d: {  	v14 =	vmul.f32 v14, v14;
	v27 =	vmin.u32 v27, $0x6;
	v32 =	vmul.f32 v32, v2  }
0x16e: {  	v30 =	vsub.f32 v34, v30;
	v36 =	vcvt.s32.f32 v27;
	v33 =	vadd.f32 v33, v3  }
.Ltmp1:
0x16f: {  	v14 =	vadd.f32 v14, v17;
	v34 =	vadd.f32 v32, v1;
	v32 =	vmul.f32 v16, v16;
	(pc) =	sbr.rel @p0 .LBB2_7-.Ltmp1, $4  }
0x170: {  	v31 =	vadd.f32 v31, v20;
	v17 =	vsub.f32 v28, v39;
	v36 =	vmul.f32 v36, v2;
	[tilespmem:s29+$0x20] =	vst v30  }
0x171: {  	v28 =	vadd.f32 v11, v14;
	vm0 =	vgt.s32 v35, $0x0;
	v20 =	vsub.f32 v38, v34  }
0x172: {  	v19 =	vadd.f32 v17, v19;
	v14 =	vadd.f32 v36, v1;
	v34 =	vnsel vm0, $0x0, v35;
	[tilespmem:s29+$0xFFFFFFA0] =	vst v17  }
0x173: {  	v18 =	vadd.f32 v13, v18;
	s29 =	sadd.s32 $0x100, s29;
	[tilespmem:s25+$0xFFFFEC00] =	vst v27;
	v11 =	vmul.f32 v20, v20;
	v27 =	vmul.f32 v25, v25  }
0x174: {  	v13 =	vmin.u32 v34, $0x6  }
0x175: {  	[tilespmem:s25+$0x1800] =	vst v13  }
0x176: {  	v25 =	vld [tilespmem:s24+$0x70];
	_ =	sdelay $0x4  }
0x177: {  	v19 =	vadd.f32 v26, v19;
	v4 =	vmul.f32 v25, v4  }
0x178: {  	v6 =	vsub.f32 v6, v21;
	v47 =	vtrunc.f32 v33;
	v50 =	vadd.f32 v23, v29  }
0x179: {  	v9 =	vmul.f32 v9, v9;
	v21 =	vcvt.f32.s32 v47;
	v3 =	vadd.f32 v4, v3  }
0x17a: {  	v51 =	vadd.f32 v32, v28;
	v17 =	vmul.f32 v17, v17;
	v8 =	vsub.f32 v8, v14  }
0x17b: {  	v48 =	vadd.f32 v27, v31;
	vm0 =	vgt.s32 v21, $0x0;
	v3 =	vtrunc.f32 v3  }
0x17c: {  	v53 =	vmul.f32 v6, v6;
	v21 =	vnsel vm0, $0x0, v21;
	v52 =	vcvt.f32.s32 v3  }
0x17d: {  	v59 =	vmul.f32 v8, v8;
	v21 =	vmin.u32 v21, $0x6;
	v4 =	vcvt.s32.f32 v13  }
0x17e: {  	v57 =	vadd.f32 v53, v51;
	v54 =	vcvt.s32.f32 v21;
	vm15 =	vgt.s32 v52, $0x0  }
0x17f: {  	v3 =	vadd.f32 v9, v48;
	v9 =	vmul.f32 v4, v2;
	v4 =	vnsel vm15, $0x0, v52  }
0x180: {  	v7 =	vadd.f32 v17, v7;
	v55 =	vmul.f32 v54, v2;
	v23 =	vmin.u32 v4, $0x6  }
0x181: {  	v49 =	vadd.f32 v16, v18;
	v60 =	vadd.f32 v59, v57;
	v56 =	vcvt.s32.f32 v23  }
0x182: {  	v7 =	vadd.f32 v24, v7;
	v58 =	vadd.f32 v55, v1  }
0x183: {  	v11 =	vadd.f32 v11, v60;
	v13 =	vadd.f32 v6, v49;
	v2 =	vmul.f32 v56, v2  }
0x184: {  	[tilespmem:s23+$0x70] =	vst v6;
	v6 =	vmul.f32 v30, v30;
	v12 =	vsub.f32 v12, v58;
	v9 =	vadd.f32 v9, v1  }
0x185: {  	[tilespmem:s24+$0xFFFFFFF0] =	vst v20;
	s21 =	sadd.s32 $0x1, s21;
	v1 =	vadd.f32 v2, v1;
	v2 =	vadd.f32 v8, v13  }
0x186: {  	p0 =	sne.s32 s21, $0x7;
	[tilespmem:s24+$0xFFFFFFB0] =	vst v8;
	v6 =	vadd.f32 v6, v7;
	v9 =	vsub.f32 v15, v9  }
.Ltmp2:
0x187: {  	[tilespmem:s26+$0xC00] =	vst v21;
	v61 =	vmul.f32 v12, v12;
	v2 =	vadd.f32 v20, v2;
	v62 =	vsub.f32 v25, v1;
	(pc) =	sbr.rel @p0 .LBB2_6-.Ltmp2, $4  }
0x188: {  	[tilespmem:s24+$0x30] =	vst v12;
	v4 =	vadd.f32 v22, v50;
	v15 =	vmul.f32 v9, v9;
	v1 =	vadd.f32 v30, v19  }
0x189: {  	v11 =	vadd.f32 v61, v11;
	[tilespmem:s24+$0x60] =	vst v9;
	v7 =	vadd.f32 v12, v2;
	v63 =	vmul.f32 v62, v62  }
0x18a: {  	[tilespmem:s26+$0x1C00] =	vst v23;
	v2 =	vadd.f32 v9, v1;
	v1 =	vadd.f32 v15, v6  }
0x18b: {  	s22 =	sadd.s32 $0x80, s22;
	[tilespmem:s24+$0x70] =	vst v62;
	v7 =	vadd.f32 v62, v7;
	v6 =	vadd.f32 v63, v11  }
0x18c: {  	_ = 	snop  }
0x18d: {  	v5 =	vadd.f32 v10, v5;
	v2 =	vadd.f32 v7, v2  }
0x18e: {  	v3 =	vadd.f32 v4, v3  }
0x18f: {  	v1 =	vadd.f32 v6, v1;
	v2 =	vadd.f32 v2, v5;
	_ =	sdelay $0x1  }
0x190: {  	v1 =	vadd.f32 v1, v3;
	v2 =	vmul.f32 $1.562500000e-02, v2;
	_ =	sdelay $0x1  }
0x191: {  	v1 =	vmul.f32 $1.562500000e-02, v1;
	v3 =	vmul.f32 v2, v2;
	_ =	sdelay $0x1  }
0x192: {  	v1 =	vsub.f32 v1, v3;
	_ =	sdelay $0x1  }
0x193: {  	v1 =	vmul.f32 $1.015873070e+00, v1;
	_ =	sdelay $0x1  }
0x194: {  	v1 =	vmax.f32 v1, $1.000000000e-30  }
0x195: {  	v3 =	vshra.s32 v1, $0x1;
	v4 =	vmul.f32 $5.000000000e-01, v1  }
0x196: {  	v3 =	vsub.s32 $0x5F3759DF, v3  }
0x197: {  	v5 =	vmul.f32 v3, v4;
	_ =	sdelay $0x1  }
0x198: {  	v5 =	vmul.f32 v3, v5;
	_ =	sdelay $0x1  }
0x199: {  	v5 =	vsub.f32 $1.500000000e+00, v5;
	_ =	sdelay $0x1  }
0x19a: {  	v3 =	vmul.f32 v3, v5;
	_ =	sdelay $0x1  }
0x19b: {  	v5 =	vmul.f32 v3, v4;
	_ =	sdelay $0x1  }
0x19c: {  	v5 =	vmul.f32 v5, v3;
	_ =	sdelay $0x1  }
0x19d: {  	v5 =	vsub.f32 $1.500000000e+00, v5;
	_ =	sdelay $0x1  }
0x19e: {  	v3 =	vmul.f32 v5, v3;
	_ =	sdelay $0x1  }
0x19f: {  	v4 =	vmul.f32 v3, v4;
	_ =	sdelay $0x1  }
0x1a0: {  	v4 =	vmul.f32 v4, v3;
	_ =	sdelay $0x1  }
0x1a1: {  	v4 =	vsub.f32 $1.500000000e+00, v4;
	_ =	sdelay $0x1  }
0x1a2: {  	v3 =	vmul.f32 v4, v3;
	_ =	sdelay $0x1  }
0x1a3: {  	v1 =	vmul.f32 v3, v1;
	_ =	sdelay $0x1  }
0x1a4: {  	v5 =	vadd.f32 $9.999999740e-06, v1;
	_ =	sdelay $0x1  }
0x1a5: {  	(erf) = vrcp.f32 v5;
	_ =	sdelay $0x7  }
0x1a6: {  	s24 =	simm.s32 $0x2080  }
0x1a7: {  	v6 =	vld [tilespmem:s24+$0x40];
	v1 =	vpop (erf)  }
0x1a8: {  	v4 =	vmul.f32 $3.000000000e+00, v1;
	_ =	sdelay $0x1  }
0x1a9: {  	v7 =	vld [tilespmem:s24+$0xFFFFFF80];
	v1 =	vmul.f32 v4, v2  }
0x1aa: {  	v8 =	vld [tilespmem:s24+$0xFFFFFFC0]  }
0x1ab: {  	v9 =	vld [tilespmem:s24+$0x0];
	v3 =	vsub.f32 $3.500000000e+00, v1;
	v1 =	vmul.f32 v6, v4;
	_ =	sdelay $0x1  }
0x1ac: {  	v1 =	vadd.f32 v1, v3  }
0x1ad: {  	v10 =	vmul.f32 v7, v4  }
0x1ae: {  	v11 =	vmul.f32 v8, v4;
	v1 =	vtrunc.f32 v1  }
0x1af: {  	v12 =	vmul.f32 v9, v4;
	v10 =	vadd.f32 v10, v3;
	v13 =	vcvt.f32.s32 v1  }
0x1b0: {  	v2 =	vsub.f32 v2, v5;
	v11 =	vadd.f32 v11, v3  }
0x1b1: {  	v12 =	vadd.f32 v12, v3;
	v10 =	vtrunc.f32 v10;
	vm0 =	vgt.s32 v13, $0x0  }
0x1b2: {  	v11 =	vtrunc.f32 v11;
	v10 =	vcvt.f32.s32 v10;
	v13 =	vnsel vm0, $0x0, v13  }
0x1b3: {  	v1 =	vmul.f32 $3.333333430e-01, v5;
	v5 =	vcvt.f32.s32 v11;
	v11 =	vmin.u32 v13, $0x6  }
0x1b4: {  	v12 =	vtrunc.f32 v12;
	vm0 =	vgt.s32 v10, $0x0;
	v13 =	vcvt.s32.f32 v11  }
0x1b5: {  	v12 =	vcvt.f32.s32 v12;
	vm1 =	vgt.s32 v5, $0x0;
	v10 =	vnsel vm0, $0x0, v10  }
0x1b6: {  	v5 =	vnsel vm1, $0x0, v5;
	v10 =	vmin.u32 v10, $0x6;
	[tilespmem:s19+$0x1000] =	vst v11;
	v13 =	vmul.f32 v13, v1  }
0x1b7: {  	vm0 =	vgt.s32 v12, $0x0;
	v5 =	vmin.u32 v5, $0x6;
	v11 =	vcvt.s32.f32 v10;
	v14 =	vld [tilespmem:s17+$0x200]  }
0x1b8: {  	v12 =	vnsel vm0, $0x0, v12;
	v15 =	vcvt.s32.f32 v5;
	v13 =	vadd.f32 v13, v2  }
0x1b9: {  	[tilespmem:s19+$0xFFFFE000] =	vst v10;
	v10 =	vmin.u32 v12, $0x6;
	v11 =	vmul.f32 v11, v1  }
0x1ba: {  	[tilespmem:s19+$0xFFFFF000] =	vst v5;
	v12 =	vld [tilespmem:s17+$0xFFFFFC00];
	v5 =	vcvt.s32.f32 v10;
	v15 =	vmul.f32 v15, v1;
	v6 =	vsub.f32 v6, v13  }
0x1bb: {  	v11 =	vadd.f32 v11, v2;
	v13 =	vld [tilespmem:s17+$0xFFFFFE00]  }
0x1bc: {  	[tilespmem:s19+$0x0] =	vst v10;
	v5 =	vmul.f32 v5, v1;
	v10 =	vadd.f32 v15, v2;
	v6 =	vsub.f32 v14, v6  }
0x1bd: {  	v7 =	vsub.f32 v7, v11;
	v14 =	vld [tilespmem:s17+$0x0]  }
0x1be: {  	v5 =	vadd.f32 v5, v2;
	v8 =	vsub.f32 v8, v10;
	[tilespmem:s17+$0x200] =	vst v6  }
0x1bf: {  	v6 =	vsub.f32 v12, v7;
	v7 =	vld [tilespmem:s24+$0x50]  }
0x1c0: {  	v5 =	vsub.f32 v9, v5;
	v8 =	vsub.f32 v13, v8  }
0x1c1: {  	[tilespmem:s17+$0xFFFFFC00] =	vst v6  }
0x1c2: {  	v5 =	vsub.f32 v14, v5;
	v6 =	vld [tilespmem:s24+$0xFFFFFF90];
	[tilespmem:s17+$0xFFFFFE00] =	vst v8  }
0x1c3: {  	v8 =	vld [tilespmem:s24+$0xFFFFFFD0]  }
0x1c4: {  	[tilespmem:s17+$0x0] =	vst v5;
	v5 =	vmul.f32 v7, v4  }
0x1c5: {  	v9 =	vld [tilespmem:s24+$0x10]  }
0x1c6: {  	v5 =	vadd.f32 v5, v3  }
0x1c7: {  	v10 =	vmul.f32 v6, v4  }
0x1c8: {  	v11 =	vmul.f32 v8, v4;
	v5 =	vtrunc.f32 v5  }
0x1c9: {  	v10 =	vadd.f32 v10, v3;
	v5 =	vcvt.f32.s32 v5  }
0x1ca: {  	v11 =	vadd.f32 v11, v3;
	v12 =	vmul.f32 v9, v4  }
0x1cb: {  	v10 =	vtrunc.f32 v10;
	vm0 =	vgt.s32 v5, $0x0  }
0x1cc: {  	v11 =	vtrunc.f32 v11;
	v12 =	vadd.f32 v12, v3;
	v5 =	vnsel vm0, $0x0, v5  }
0x1cd: {  	v10 =	vcvt.f32.s32 v10;
	v11 =	vcvt.f32.s32 v11;
	v5 =	vmin.u32 v5, $0x6  }
0x1ce: {  	v13 =	vcvt.s32.f32 v5  }
0x1cf: {  	v12 =	vtrunc.f32 v12;
	vm0 =	vgt.s32 v10, $0x0;
	vm1 =	vgt.s32 v11, $0x0  }
0x1d0: {  	v10 =	vnsel vm0, $0x0, v10;
	[tilespmem:s19+$0x1400] =	vst v5;
	v11 =	vnsel vm1, $0x0, v11;
	v13 =	vmul.f32 v13, v1  }
0x1d1: {  	v12 =	vcvt.f32.s32 v12;
	v5 =	vmin.u32 v10, $0x6;
	v10 =	vmin.u32 v11, $0x6;
	v11 =	vld [tilespmem:s17+$0x280]  }
0x1d2: {  	v13 =	vadd.f32 v13, v2  }
0x1d3: {  	vm0 =	vgt.s32 v12, $0x0;
	v14 =	vcvt.s32.f32 v5  }
0x1d4: {  	v12 =	vnsel vm0, $0x0, v12;
	v7 =	vsub.f32 v7, v13  }
0x1d5: {  	[tilespmem:s19+$0xFFFFE400] =	vst v5;
	v5 =	vmin.u32 v12, $0x6;
	v12 =	vmul.f32 v14, v1  }
0x1d6: {  	v15 =	vcvt.s32.f32 v10;
	v7 =	vsub.f32 v11, v7  }
0x1d7: {  	s21 =	simm.s32 $0x2180;
	[tilespmem:s19+$0xFFFFF400] =	vst v10;
	v12 =	vadd.f32 v12, v2  }
0x1d8: {  	v10 =	vmul.f32 v15, v1;
	v15 =	vld [tilespmem:s21+$0xFFFFFFC0];
	[tilespmem:s17+$0x280] =	vst v7  }
0x1d9: {  	v14 =	vcvt.s32.f32 v5;
	v6 =	vsub.f32 v6, v12;
	v12 =	vld [tilespmem:s24+$0x60]  }
0x1da: {  	v13 =	vld [tilespmem:s17+$0xFFFFFC80]  }
0x1db: {  	[tilespmem:s19+$0x400] =	vst v5;
	v5 =	vmul.f32 v14, v1;
	v10 =	vadd.f32 v10, v2;
	v11 =	vld [tilespmem:s17+$0xFFFFFE80]  }
0x1dc: {  	v14 =	vld [tilespmem:s17+$0x80]  }
0x1dd: {  	v5 =	vadd.f32 v5, v2;
	v7 =	vsub.f32 v8, v10;
	v10 =	vld [tilespmem:s21+$0x40]  }
0x1de: {  	v8 =	vmul.f32 v12, v4  }
0x1df: {  	v6 =	vsub.f32 v13, v6;
	v5 =	vsub.f32 v9, v5  }
0x1e0: {  	v16 =	vld [tilespmem:s21+$0x0];
	v7 =	vsub.f32 v11, v7;
	v8 =	vadd.f32 v8, v3  }
0x1e1: {  	v20 =	vmul.f32 v15, v4;
	[tilespmem:s17+$0xFFFFFC80] =	vst v6;
	v5 =	vsub.f32 v14, v5  }
0x1e2: {  	v6 =	vld [tilespmem:s24+$0xFFFFFFA0];
	[tilespmem:s17+$0xFFFFFE80] =	vst v7;
	v18 =	vmul.f32 v10, v4;
	v8 =	vtrunc.f32 v8  }
0x1e3: {  	[tilespmem:s17+$0x80] =	vst v5;
	v7 =	vld [tilespmem:s24+$0xFFFFFFE0];
	v8 =	vcvt.f32.s32 v8  }
0x1e4: {  	v20 =	vadd.f32 v20, v3;
	v5 =	vld [tilespmem:s24+$0x20];
	v18 =	vadd.f32 v18, v3  }
0x1e5: {  	v21 =	vmul.f32 v16, v4;
	v14 =	vld [tilespmem:s21+$0xFFFFFF80];
	vm0 =	vgt.s32 v8, $0x0  }
0x1e6: {  	v20 =	vtrunc.f32 v20;
	v18 =	vtrunc.f32 v18;
	v8 =	vnsel vm0, $0x0, v8  }
0x1e7: {  	v9 =	vmul.f32 v6, v4;
	v18 =	vcvt.f32.s32 v18;
	v8 =	vmin.u32 v8, $0x6  }
0x1e8: {  	v11 =	vmul.f32 v7, v4;
	v17 =	vcvt.s32.f32 v8  }
0x1e9: {  	v9 =	vadd.f32 v9, v3;
	v13 =	vmul.f32 v5, v4;
	vm1 =	vgt.s32 v18, $0x0  }
0x1ea: {  	v11 =	vadd.f32 v11, v3;
	[tilespmem:s19+$0x1800] =	vst v8;
	v8 =	vmul.f32 v14, v4;
	v17 =	vmul.f32 v17, v1  }
0x1eb: {  	v9 =	vtrunc.f32 v9;
	v13 =	vadd.f32 v13, v3;
	v18 =	vnsel vm1, $0x0, v18;
	v19 =	vld [tilespmem:s17+$0x300]  }
0x1ec: {  	v9 =	vcvt.f32.s32 v9;
	v8 =	vadd.f32 v8, v3;
	v17 =	vadd.f32 v17, v2  }
0x1ed: {  	v18 =	vmin.u32 v18, $0x6;
	v11 =	vtrunc.f32 v11;
	v13 =	vtrunc.f32 v13  }
0x1ee: {  	vm0 =	vgt.s32 v9, $0x0;
	v8 =	vtrunc.f32 v8;
	v12 =	vsub.f32 v12, v17  }
0x1ef: {  	v11 =	vcvt.f32.s32 v11;
	v8 =	vcvt.f32.s32 v8;
	v17 =	vadd.f32 v21, v3  }
0x1f0: {  	v13 =	vcvt.f32.s32 v13;
	v12 =	vsub.f32 v19, v12;
	v19 =	vcvt.f32.s32 v20  }
0x1f1: {  	vm1 =	vgt.s32 v8, $0x0;
	v17 =	vtrunc.f32 v17;
	v20 =	vcvt.s32.f32 v18  }
0x1f2: {  	s22 =	sadd.s32 $0x4000, s19;
	[tilespmem:s17+$0x300] =	vst v12;
	v12 =	vcvt.f32.s32 v17;
	vm2 =	vgt.s32 v19, $0x0;
	v17 =	vnsel vm1, $0x0, v8  }
0x1f3: {  	s23 =	sadd.s32 $0x800, s17;
	[tilespmem:s22+$0x1000] =	vst v18;
	v20 =	vmul.f32 v20, v1;
	v8 =	vld [tilespmem:s24+$0x70];
	v19 =	vnsel vm2, $0x0, v19;
	v17 =	vmin.u32 v17, $0x6  }
0x1f4: {  	v21 =	vld [tilespmem:s23+$0x200];
	vm1 =	vgt.s32 v12, $0x0;
	v18 =	vmin.u32 v19, $0x6;
	v19 =	vcvt.s32.f32 v17  }
0x1f5: {  	v20 =	vadd.f32 v20, v2;
	v12 =	vnsel vm1, $0x0, v12;
	v22 =	vcvt.s32.f32 v18  }
0x1f6: {  	v9 =	vnsel vm0, $0x0, v9;
	[tilespmem:s22+$0xFFFFE000] =	vst v17;
	v12 =	vmin.u32 v12, $0x6;
	v17 =	vmul.f32 v19, v1  }
0x1f7: {  	[tilespmem:s22+$0xFFFFF000] =	vst v18;
	v19 =	vld [tilespmem:s23+$0xFFFFFC00];
	v10 =	vsub.f32 v10, v20;
	v18 =	vcvt.s32.f32 v12;
	v22 =	vmul.f32 v22, v1  }
0x1f8: {  	vm0 =	vgt.s32 v11, $0x0;
	v23 =	vld [tilespmem:s23+$0xFFFFFE00];
	v20 =	vmul.f32 v8, v4;
	v17 =	vadd.f32 v17, v2  }
0x1f9: {  	[tilespmem:s22+$0x0] =	vst v12;
	v10 =	vsub.f32 v21, v10;
	v12 =	vmul.f32 v18, v1;
	v18 =	vadd.f32 v22, v2  }
0x1fa: {  	v9 =	vmin.u32 v9, $0x6;
	v21 =	vld [tilespmem:s23+$0x0];
	v20 =	vadd.f32 v20, v3;
	v14 =	vsub.f32 v14, v17  }
0x1fb: {  	v11 =	vnsel vm0, $0x0, v11;
	[tilespmem:s23+$0x200] =	vst v10;
	v12 =	vadd.f32 v12, v2;
	v15 =	vsub.f32 v15, v18  }
0x1fc: {  	vm1 =	vgt.s32 v13, $0x0;
	v10 =	vmin.u32 v11, $0x6;
	v17 =	vld [tilespmem:s21+$0x50];
	v14 =	vsub.f32 v19, v14  }
0x1fd: {  	v11 =	vtrunc.f32 v20;
	v12 =	vsub.f32 v16, v12;
	v15 =	vsub.f32 v23, v15  }
0x1fe: {  	v13 =	vnsel vm1, $0x0, v13;
	v11 =	vcvt.f32.s32 v11;
	v16 =	vcvt.s32.f32 v9;
	[tilespmem:s23+$0xFFFFFC00] =	vst v14  }
0x1ff: {  	v13 =	vmin.u32 v13, $0x6;
	v18 =	vcvt.s32.f32 v10;
	v12 =	vsub.f32 v21, v12;
	v19 =	vld [tilespmem:s21+$0xFFFFFF90];
	[tilespmem:s23+$0xFFFFFE00] =	vst v15  }
0x200: {  	[tilespmem:s19+$0xFFFFE800] =	vst v9;
	v14 =	vcvt.s32.f32 v13;
	vm0 =	vgt.s32 v11, $0x0;
	v9 =	vmul.f32 v16, v1;
	v16 =	vld [tilespmem:s21+$0xFFFFFFD0]  }
0x201: {  	v15 =	vmul.f32 v18, v1;
	v18 =	vld [tilespmem:s17+$0xFFFFFD00];
	v11 =	vnsel vm0, $0x0, v11;
	[tilespmem:s23+$0x0] =	vst v12;
	v12 =	vmul.f32 v17, v4  }
0x202: {  	[tilespmem:s19+$0xFFFFF800] =	vst v10;
	v14 =	vmul.f32 v14, v1;
	v11 =	vmin.u32 v11, $0x6;
	v9 =	vadd.f32 v9, v2;
	v20 =	vld [tilespmem:s21+$0x10]  }
0x203: {  	v21 =	vld [tilespmem:s17+$0xFFFFFF00];
	v15 =	vadd.f32 v15, v2;
	v10 =	vcvt.s32.f32 v11;
	v12 =	vadd.f32 v12, v3  }
0x204: {  	v14 =	vadd.f32 v14, v2;
	v6 =	vsub.f32 v6, v9;
	v9 =	vmul.f32 v19, v4  }
0x205: {  	[tilespmem:s19+$0x800] =	vst v13;
	v7 =	vsub.f32 v7, v15;
	v13 =	vmul.f32 v16, v4;
	v12 =	vtrunc.f32 v12  }
0x206: {  	v15 =	vld [tilespmem:s17+$0x100];
	v5 =	vsub.f32 v5, v14;
	v9 =	vadd.f32 v9, v3;
	v12 =	vcvt.f32.s32 v12  }
0x207: {  	v6 =	vsub.f32 v18, v6;
	v13 =	vadd.f32 v13, v3;
	v14 =	vmul.f32 v20, v4  }
0x208: {  	v18 =	vsub.f32 v21, v7;
	v7 =	vtrunc.f32 v9;
	vm0 =	vgt.s32 v12, $0x0  }
0x209: {  	v9 =	vtrunc.f32 v13;
	v13 =	vadd.f32 v14, v3;
	v12 =	vnsel vm0, $0x0, v12  }
0x20a: {  	[tilespmem:s17+$0xFFFFFD00] =	vst v6;
	v6 =	vcvt.f32.s32 v7;
	v9 =	vcvt.f32.s32 v9;
	v12 =	vmin.u32 v12, $0x6  }
0x20b: {  	v14 =	vsub.f32 v15, v5;
	v7 =	vld [tilespmem:s24+$0xFFFFFFB0];
	v5 =	vtrunc.f32 v13;
	v13 =	vcvt.s32.f32 v12  }
0x20c: {  	[tilespmem:s17+$0xFFFFFF00] =	vst v18;
	vm0 =	vgt.s32 v6, $0x0;
	vm1 =	vgt.s32 v9, $0x0;
	v15 =	vcvt.f32.s32 v5  }
0x20d: {  	[tilespmem:s22+$0x1400] =	vst v12;
	v5 =	vld [tilespmem:s24+$0xFFFFFFF0];
	v6 =	vnsel vm0, $0x0, v6;
	v9 =	vnsel vm1, $0x0, v9;
	v13 =	vmul.f32 v13, v1  }
0x20e: {  	[tilespmem:s17+$0x100] =	vst v14;
	v14 =	vld [tilespmem:s23+$0x280];
	v12 =	vmin.u32 v6, $0x6;
	v9 =	vmin.u32 v9, $0x6;
	vm0 =	vgt.s32 v15, $0x0  }
0x20f: {  	v6 =	vld [tilespmem:s24+$0x30];
	v18 =	vcvt.s32.f32 v12;
	v15 =	vnsel vm0, $0x0, v15;
	v13 =	vadd.f32 v13, v2  }
0x210: {  	v22 =	vmul.f32 v7, v4;
	v21 =	vcvt.s32.f32 v9;
	v15 =	vmin.u32 v15, $0x6  }
0x211: {  	[tilespmem:s22+$0xFFFFE400] =	vst v12;
	v12 =	vmul.f32 v18, v1;
	v18 =	vcvt.s32.f32 v15;
	v13 =	vsub.f32 v17, v13  }
0x212: {  	[tilespmem:s22+$0xFFFFF400] =	vst v9;
	v17 =	vld [tilespmem:s23+$0xFFFFFC80];
	v9 =	vmul.f32 v21, v1;
	v21 =	vadd.f32 v22, v3;
	v22 =	vmul.f32 v5, v4  }
0x213: {  	v23 =	vld [tilespmem:s23+$0xFFFFFE80];
	[tilespmem:s22+$0x400] =	vst v15;
	v12 =	vadd.f32 v12, v2;
	v15 =	vmul.f32 v18, v1;
	v13 =	vsub.f32 v14, v13  }
0x214: {  	v14 =	vld [tilespmem:s23+$0x80];
	v9 =	vadd.f32 v9, v2;
	v18 =	vadd.f32 v22, v3;
	v22 =	vmul.f32 v6, v4  }
0x215: {  	v12 =	vsub.f32 v19, v12;
	v19 =	vadd.f32 v15, v2;
	[tilespmem:s23+$0x280] =	vst v13;
	v13 =	vtrunc.f32 v21  }
0x216: {  	v9 =	vsub.f32 v16, v9;
	v16 =	vtrunc.f32 v18;
	v18 =	vadd.f32 v22, v3;
	v15 =	vld [tilespmem:s21+$0x60]  }
0x217: {  	v12 =	vsub.f32 v17, v12;
	v13 =	vcvt.f32.s32 v13;
	v17 =	vsub.f32 v20, v19  }
0x218: {  	[tilespmem:s19+$0x1C00] =	vst v11;
	v10 =	vmul.f32 v10, v1;
	v16 =	vcvt.f32.s32 v16;
	v9 =	vsub.f32 v23, v9  }
0x219: {  	v11 =	vtrunc.f32 v18;
	v18 =	vld [tilespmem:s17+$0x380];
	[tilespmem:s23+$0xFFFFFC80] =	vst v12;
	vm0 =	vgt.s32 v13, $0x0;
	v14 =	vsub.f32 v14, v17  }
0x21a: {  	v10 =	vadd.f32 v10, v2;
	v17 =	vcvt.f32.s32 v11;
	v11 =	vld [tilespmem:s21+$0xFFFFFFA0];
	[tilespmem:s23+$0xFFFFFE80] =	vst v9;
	v9 =	vnsel vm0, $0x0, v13  }
0x21b: {  	vm0 =	vgt.s32 v16, $0x0;
	v12 =	vld [tilespmem:s21+$0xFFFFFFE0];
	v9 =	vmin.u32 v9, $0x6;
	[tilespmem:s23+$0x80] =	vst v14;
	v14 =	vmul.f32 v15, v4  }
0x21c: {  	v8 =	vsub.f32 v8, v10;
	v16 =	vnsel vm0, $0x0, v16;
	v21 =	vcvt.s32.f32 v9;
	v13 =	vld [tilespmem:s21+$0x20]  }
0x21d: {  	vm0 =	vgt.s32 v17, $0x0;
	v16 =	vmin.u32 v16, $0x6;
	v14 =	vadd.f32 v14, v3  }
0x21e: {  	v17 =	vnsel vm0, $0x0, v17;
	v22 =	vcvt.s32.f32 v16;
	[tilespmem:s19+$0xFFFFFC00] =	vst v16;
	v16 =	vmul.f32 v21, v1  }
0x21f: {  	[tilespmem:s19+$0xFFFFEC00] =	vst v9;
	v23 =	vsub.f32 v18, v8;
	v9 =	vmul.f32 v11, v4;
	v14 =	vtrunc.f32 v14  }
0x220: {  	v10 =	vld [tilespmem:s17+$0xFFFFFD80];
	v19 =	vmin.u32 v17, $0x6;
	v24 =	vmul.f32 v12, v4;
	v18 =	vcvt.f32.s32 v14  }
0x221: {  	s28 =	simm.s32 $0x10;
	s29 =	simm.s32 $0x2280;
	v8 =	vld [tilespmem:s17+$0xFFFFFF80];
	v17 =	vcvt.s32.f32 v19;
	[tilespmem:s19+$0xC00] =	vst v19;
	v19 =	vadd.f32 v9, v3;
	v20 =	vmul.f32 v13, v4  }
0x222: {  	s25 =	smov.u32 s17;
	s26 =	smov.u32 s22;
	s24 =	smov.u32 s23;
	[tilespmem:s17+$0x380] =	vst v23;
	v9 =	vld [tilespmem:s17+$0x180];
	v14 =	vmul.f32 v22, v1;
	v21 =	vadd.f32 v24, v3;
	vm0 =	vgt.s32 v18, $0x0  }
.LBB2_10:
0x223: {  	v22 =	vld [tilespmem:s29+$0x40];
	s28 =	sadd.s32 $0x10, s28;
	v19 =	vtrunc.f32 v19;
	v20 =	vadd.f32 v20, v3;
	v18 =	vnsel vm0, $0x0, v18  }
0x224: {  	v23 =	vld [tilespmem:s29+$0xFFFFFFC0];
	p0 =	slt.u32 s28, $0x30;
	v19 =	vcvt.f32.s32 v19;
	v21 =	vtrunc.f32 v21;
	v18 =	vmin.u32 v18, $0x6  }
0x225: {  	v16 =	vadd.f32 v16, v2;
	v24 =	vld [tilespmem:s29+$0x0];
	v20 =	vtrunc.f32 v20;
	v25 =	vcvt.s32.f32 v18  }
0x226: {  	v21 =	vcvt.f32.s32 v21;
	v26 =	vld [tilespmem:s29+$0xFFFFFF80];
	vm0 =	vgt.s32 v19, $0x0;
	v20 =	vcvt.f32.s32 v20  }
0x227: {  	v17 =	vmul.f32 v17, v1;
	v19 =	vnsel vm0, $0x0, v19;
	v25 =	vmul.f32 v25, v1;
	[tilespmem:s22+$0x1800] =	vst v18  }
0x228: {  	vm0 =	vgt.s32 v21, $0x0;
	v18 =	vmul.f32 v22, v4;
	vm1 =	vgt.s32 v20, $0x0;
	v27 =	vld [tilespmem:s23+$0x300]  }
0x229: {  	v21 =	vnsel vm0, $0x0, v21;
	v28 =	vmul.f32 v23, v4;
	v25 =	vadd.f32 v25, v2  }
0x22a: {  	v20 =	vnsel vm1, $0x0, v20;
	v29 =	vmul.f32 v24, v4;
	v18 =	vadd.f32 v18, v3  }
0x22b: {  	v30 =	vmul.f32 v26, v4;
	v28 =	vadd.f32 v28, v3;
	v15 =	vsub.f32 v15, v25  }
0x22c: {  	v19 =	vmin.u32 v19, $0x6;
	v25 =	vadd.f32 v29, v3;
	v18 =	vtrunc.f32 v18  }
0x22d: {  	v29 =	vadd.f32 v30, v3;
	v18 =	vcvt.f32.s32 v18;
	[tilespmem:s22+$0xFFFFE800] =	vst v19;
	v15 =	vsub.f32 v27, v15  }
0x22e: {  	v21 =	vmin.u32 v21, $0x6;
	v27 =	vtrunc.f32 v28;
	v25 =	vtrunc.f32 v25;
	v28 =	vld [tilespmem:s23+$0xFFFFFD00]  }
0x22f: {  	v27 =	vcvt.f32.s32 v27;
	v29 =	vtrunc.f32 v29;
	vm0 =	vgt.s32 v18, $0x0;
	[tilespmem:s23+$0x300] =	vst v15  }
0x230: {  	v25 =	vcvt.f32.s32 v25;
	v15 =	vcvt.f32.s32 v29;
	v18 =	vnsel vm0, $0x0, v18;
	[tilespmem:s22+$0xFFFFF800] =	vst v21;
	v29 =	vld [tilespmem:s21+$0x70]  }
0x231: {  	v20 =	vmin.u32 v20, $0x6;
	vm0 =	vgt.s32 v27, $0x0;
	v18 =	vmin.u32 v18, $0x6;
	v30 =	vld [tilespmem:s23+$0xFFFFFF00]  }
0x232: {  	vm2 =	vgt.s32 v25, $0x0;
	vm1 =	vgt.s32 v15, $0x0;
	v31 =	vcvt.s32.f32 v18;
	[tilespmem:s22+$0x800] =	vst v20  }
0x233: {  	v27 =	vnsel vm0, $0x0, v27;
	v25 =	vnsel vm2, $0x0, v25;
	s22 =	sadd.s32 $0x4000, s22;
	v15 =	vnsel vm1, $0x0, v15;
	v32 =	vld [tilespmem:s23+$0x100]  }
0x234: {  	v27 =	vmin.u32 v27, $0x6;
	s23 =	sadd.s32 $0x800, s23;
	v15 =	vmin.u32 v15, $0x6;
	v31 =	vmul.f32 v31, v1;
	[tilespmem:s22+$0x1000] =	vst v18  }
0x235: {  	v18 =	vcvt.s32.f32 v15;
	[tilespmem:s22+$0xFFFFE000] =	vst v15;
	v15 =	vmin.u32 v25, $0x6;
	v25 =	vld [tilespmem:s23+$0x200];
	v33 =	vmul.f32 v29, v4  }
0x236: {  	v35 =	vcvt.s32.f32 v27;
	v34 =	vld [tilespmem:s23+$0xFFFFFC00];
	[tilespmem:s22+$0xFFFFF000] =	vst v27;
	v27 =	vcvt.s32.f32 v15;
	v31 =	vadd.f32 v31, v2  }
0x237: {  	v18 =	vmul.f32 v18, v1;
	v36 =	vld [tilespmem:s23+$0xFFFFFE00];
	[tilespmem:s22+$0x0] =	vst v15;
	v15 =	vcvt.s32.f32 v19;
	v19 =	vadd.f32 v33, v3  }
0x238: {  	v33 =	vmul.f32 v35, v1;
	v27 =	vmul.f32 v27, v1;
	v35 =	vld [tilespmem:s23+$0x0];
	v22 =	vsub.f32 v22, v31  }
0x239: {  	v21 =	vcvt.s32.f32 v21;
	v18 =	vadd.f32 v18, v2;
	v19 =	vtrunc.f32 v19  }
0x23a: {  	v31 =	vadd.f32 v33, v2;
	v22 =	vsub.f32 v25, v22;
	v19 =	vcvt.f32.s32 v19  }
0x23b: {  	v20 =	vcvt.s32.f32 v20;
	v25 =	vadd.f32 v27, v2;
	v18 =	vsub.f32 v26, v18  }
0x23c: {  	v15 =	vmul.f32 v15, v1;
	v23 =	vsub.f32 v23, v31;
	[tilespmem:s23+$0x200] =	vst v22;
	vm0 =	vgt.s32 v19, $0x0  }
0x23d: {  	v22 =	vsub.f32 v24, v25;
	v18 =	vsub.f32 v34, v18;
	v24 =	vld [tilespmem:s29+$0x50];
	v19 =	vnsel vm0, $0x0, v19  }
0x23e: {  	v21 =	vmul.f32 v21, v1;
	v23 =	vsub.f32 v36, v23;
	v19 =	vmin.u32 v19, $0x6  }
0x23f: {  	v20 =	vmul.f32 v20, v1;
	[tilespmem:s23+$0xFFFFFC00] =	vst v18;
	v18 =	vsub.f32 v35, v22;
	v22 =	vcvt.s32.f32 v19  }
0x240: {  	v21 =	vadd.f32 v21, v2;
	v15 =	vadd.f32 v15, v2;
	v25 =	vld [tilespmem:s29+$0xFFFFFF90];
	[tilespmem:s23+$0xFFFFFE00] =	vst v23  }
0x241: {  	v14 =	vadd.f32 v14, v2;
	v20 =	vadd.f32 v20, v2;
	v23 =	vld [tilespmem:s29+$0xFFFFFFD0];
	v22 =	vmul.f32 v22, v1;
	[tilespmem:s26+$0x1C00] =	vst v19  }
0x242: {  	v12 =	vsub.f32 v12, v21;
	v11 =	vsub.f32 v11, v15;
	[tilespmem:s23+$0x0] =	vst v18;
	v18 =	vmul.f32 v24, v4;
	v15 =	vld [tilespmem:s24+$0x380]  }
0x243: {  	v13 =	vsub.f32 v13, v20;
	v19 =	vld [tilespmem:s29+$0x10];
	v20 =	vadd.f32 v22, v2  }
0x244: {  	v11 =	vsub.f32 v28, v11;
	v18 =	vadd.f32 v18, v3  }
0x245: {  	v12 =	vsub.f32 v30, v12;
	v21 =	vmul.f32 v25, v4;
	v20 =	vsub.f32 v29, v20  }
0x246: {  	v22 =	vmul.f32 v23, v4;
	v18 =	vtrunc.f32 v18;
	[tilespmem:s24+$0xFFFFFD00] =	vst v11;
	v11 =	vsub.f32 v32, v13  }
0x247: {  	v13 =	vadd.f32 v21, v3;
	v18 =	vcvt.f32.s32 v18;
	v21 =	vld [tilespmem:s21+$0xFFFFFFB0];
	[tilespmem:s24+$0xFFFFFF00] =	vst v12;
	v12 =	vsub.f32 v15, v20  }
0x248: {  	v17 =	vadd.f32 v17, v2;
	v15 =	vadd.f32 v22, v3;
	v20 =	vmul.f32 v19, v4;
	v22 =	vld [tilespmem:s21+$0xFFFFFFF0];
	[tilespmem:s24+$0x100] =	vst v11  }
0x249: {  	v16 =	vsub.f32 v7, v16;
	v11 =	vtrunc.f32 v13;
	vm0 =	vgt.s32 v18, $0x0;
	v13 =	vld [tilespmem:s21+$0x30];
	[tilespmem:s24+$0x380] =	vst v12;
	s21 =	smov.u32 s29  }
0x24a: {  	v26 =	vtrunc.f32 v15;
	v12 =	vadd.f32 v20, v3;
	v15 =	vnsel vm0, $0x0, v18  }
0x24b: {  	v11 =	vcvt.f32.s32 v11;
	v18 =	vcvt.f32.s32 v26;
	v15 =	vmin.u32 v15, $0x6  }
0x24c: {  	v14 =	vsub.f32 v5, v14;
	v12 =	vtrunc.f32 v12;
	v20 =	vcvt.s32.f32 v15;
	v7 =	vmovc v21  }
0x24d: {  	vm0 =	vgt.s32 v11, $0x0;
	vm1 =	vgt.s32 v18, $0x0;
	v12 =	vcvt.f32.s32 v12;
	v5 =	vmovc v22  }
0x24e: {  	v11 =	vnsel vm0, $0x0, v11;
	v18 =	vnsel vm1, $0x0, v18;
	v20 =	vmul.f32 v20, v1;
	[tilespmem:s22+$0x1400] =	vst v15  }
0x24f: {  	v11 =	vmin.u32 v11, $0x6;
	v15 =	vmin.u32 v18, $0x6;
	vm0 =	vgt.s32 v12, $0x0;
	v18 =	vld [tilespmem:s23+$0x280]  }
0x250: {  	v21 =	vcvt.s32.f32 v11;
	[tilespmem:s22+$0xFFFFE400] =	vst v11;
	v11 =	vnsel vm0, $0x0, v12;
	v12 =	vadd.f32 v20, v2  }
0x251: {  	v22 =	vcvt.s32.f32 v15;
	v20 =	vld [tilespmem:s23+$0xFFFFFC80];
	[tilespmem:s22+$0xFFFFF400] =	vst v15;
	v11 =	vmin.u32 v11, $0x6;
	v15 =	vmul.f32 v7, v4  }
0x252: {  	v21 =	vmul.f32 v21, v1;
	v26 =	vld [tilespmem:s23+$0xFFFFFE80];
	v27 =	vcvt.s32.f32 v11;
	[tilespmem:s22+$0x400] =	vst v11;
	v11 =	vsub.f32 v24, v12  }
0x253: {  	v12 =	vmul.f32 v22, v1;
	v24 =	vmul.f32 v5, v4;
	v22 =	vld [tilespmem:s23+$0x80];
	v15 =	vadd.f32 v15, v3  }
0x254: {  	v21 =	vadd.f32 v21, v2;
	v27 =	vmul.f32 v27, v1;
	v11 =	vsub.f32 v18, v11  }
0x255: {  	v12 =	vadd.f32 v12, v2;
	v18 =	vadd.f32 v24, v3;
	v24 =	vmul.f32 v13, v4  }
0x256: {  	v21 =	vsub.f32 v25, v21;
	v25 =	vadd.f32 v27, v2;
	[tilespmem:s23+$0x280] =	vst v11;
	v11 =	vtrunc.f32 v15  }
0x257: {  	v12 =	vsub.f32 v23, v12;
	v18 =	vtrunc.f32 v18;
	v23 =	vadd.f32 v24, v3;
	v15 =	vld [tilespmem:s29+$0x60]  }
0x258: {  	v20 =	vsub.f32 v20, v21;
	v21 =	vcvt.f32.s32 v11;
	v19 =	vsub.f32 v19, v25  }
0x259: {  	v18 =	vcvt.f32.s32 v18;
	v12 =	vsub.f32 v26, v12;
	v11 =	vtrunc.f32 v23  }
0x25a: {  	vm0 =	vgt.s32 v21, $0x0;
	[tilespmem:s23+$0xFFFFFC80] =	vst v20;
	v19 =	vsub.f32 v22, v19;
	v20 =	vcvt.f32.s32 v11  }
0x25b: {  	v21 =	vnsel vm0, $0x0, v21;
	vm0 =	vgt.s32 v18, $0x0;
	v22 =	vsub.f32 v6, v17;
	v6 =	vmovc v13;
	v11 =	vld [tilespmem:s29+$0xFFFFFFA0];
	[tilespmem:s23+$0xFFFFFE80] =	vst v12  }
0x25c: {  	v18 =	vnsel vm0, $0x0, v18;
	v12 =	vld [tilespmem:s29+$0xFFFFFFE0];
	[tilespmem:s23+$0x80] =	vst v19;
	v17 =	vmul.f32 v15, v4;
	vm0 =	vgt.s32 v20, $0x0  }
0x25d: {  	v19 =	vmin.u32 v21, $0x6;
	v18 =	vmin.u32 v18, $0x6;
	v13 =	vld [tilespmem:s29+$0x20];
	v20 =	vnsel vm0, $0x0, v20  }
0x25e: {  	v23 =	vcvt.s32.f32 v19;
	v21 =	vadd.f32 v17, v3;
	[tilespmem:s26+$0xFFFFEC00] =	vst v19;
	v19 =	vmin.u32 v20, $0x6  }
.Ltmp3:
0x25f: {  	v16 =	vsub.f32 v10, v16;
	v24 =	vcvt.s32.f32 v18;
	[tilespmem:s26+$0xFFFFFC00] =	vst v18;
	v17 =	vcvt.s32.f32 v19;
	v10 =	vld [tilespmem:s24+$0xFFFFFD80];
	(pc) =	sbr.rel @p0 .LBB2_10-.Ltmp3, $4  }
0x260: {  	v14 =	vsub.f32 v8, v14;
	v20 =	vmul.f32 v11, v4;
	v18 =	vtrunc.f32 v21;
	[tilespmem:s26+$0xC00] =	vst v19;
	v8 =	vld [tilespmem:s24+$0xFFFFFF80];
	s26 =	smov.u32 s22  }
0x261: {  	v22 =	vsub.f32 v9, v22;
	v21 =	vmul.f32 v12, v4;
	v18 =	vcvt.f32.s32 v18;
	[tilespmem:s25+$0xFFFFFD80] =	vst v16;
	v9 =	vld [tilespmem:s24+$0x180]  }
0x262: {  	v16 =	vmul.f32 v23, v1;
	v19 =	vadd.f32 v20, v3;
	v20 =	vmul.f32 v13, v4;
	[tilespmem:s25+$0xFFFFFF80] =	vst v14  }
0x263: {  	s29 =	sadd.s32 $0x100, s29;
	v14 =	vmul.f32 v24, v1;
	v21 =	vadd.f32 v21, v3;
	vm0 =	vgt.s32 v18, $0x0;
	[tilespmem:s25+$0x180] =	vst v22;
	s25 =	smov.u32 s24;
	s24 =	smov.u32 s23  }
0x264: {  	v18 =	vnsel vm0, $0x0, v18  }
0x265: {  	v18 =	vmin.u32 v18, $0x6  }
0x266: {  	v22 =	vcvt.s32.f32 v18;
	_ =	sdelay $0x1  }
0x267: {  	v19 =	vtrunc.f32 v19;
	v20 =	vadd.f32 v20, v3;
	[tilespmem:s22+$0x1800] =	vst v18;
	v22 =	vmul.f32 v22, v1  }
0x268: {  	v19 =	vcvt.f32.s32 v19;
	v21 =	vtrunc.f32 v21;
	v18 =	vld [tilespmem:s23+$0x300]  }
0x269: {  	v20 =	vtrunc.f32 v20;
	v21 =	vcvt.f32.s32 v21;
	v22 =	vadd.f32 v22, v2  }
0x26a: {  	v20 =	vcvt.f32.s32 v20  }
0x26b: {  	vm10 =	vgt.s32 v19, $0x0;
	vm11 =	vgt.s32 v21, $0x0;
	v15 =	vsub.f32 v15, v22  }
0x26c: {  	v29 =	vnsel vm10, $0x0, v19;
	vm1 =	vgt.s32 v20, $0x0;
	v30 =	vnsel vm11, $0x0, v21  }
0x26d: {  	v19 =	vmin.u32 v30, $0x6;
	v15 =	vsub.f32 v18, v15;
	v18 =	vmin.u32 v29, $0x6  }
0x26e: {  	v31 =	vnsel vm1, $0x0, v20;
	[tilespmem:s22+$0xFFFFF800] =	vst v19;
	v33 =	vcvt.s32.f32 v18  }
0x26f: {  	v34 =	vcvt.s32.f32 v19;
	[tilespmem:s23+$0x300] =	vst v15;
	v15 =	vmin.u32 v31, $0x6  }
0x270: {  	v37 =	vld [tilespmem:s23+$0xFFFFFF00];
	[tilespmem:s22+$0xFFFFE800] =	vst v18;
	v35 =	vcvt.s32.f32 v15;
	v21 =	vmul.f32 v33, v1  }
0x271: {  	v36 =	vmul.f32 v34, v1;
	v23 =	vld [tilespmem:s23+$0xFFFFFD00]  }
0x272: {  	v32 =	vld [tilespmem:s21+$0x70];
	[tilespmem:s22+$0x800] =	vst v15;
	v38 =	vmul.f32 v35, v1;
	v39 =	vadd.f32 v21, v2  }
0x273: {  	v19 =	vadd.f32 v36, v2;
	v40 =	vld [tilespmem:s23+$0x100]  }
0x274: {  	v15 =	vadd.f32 v38, v2;
	v11 =	vsub.f32 v11, v39  }
0x275: {  	v12 =	vsub.f32 v12, v19  }
0x276: {  	v13 =	vsub.f32 v13, v15;
	v11 =	vsub.f32 v23, v11  }
0x277: {  	v12 =	vsub.f32 v37, v12  }
0x278: {  	v24 =	vmul.f32 v32, v4;
	[tilespmem:s24+$0xFFFFFD00] =	vst v11;
	v43 =	vsub.f32 v40, v13  }
0x279: {  	[tilespmem:s24+$0xFFFFFF00] =	vst v12;
	v45 =	vld [tilespmem:s21+$0xFFFFFFB0]  }
0x27a: {  	v12 =	vld [tilespmem:s21+$0xFFFFFFF0];
	v41 =	vadd.f32 v24, v3;
	[tilespmem:s24+$0x100] =	vst v43  }
0x27b: {  	v11 =	vld [tilespmem:s21+$0x30]  }
0x27c: {  	v42 =	vtrunc.f32 v41  }
0x27d: {  	v44 =	vcvt.f32.s32 v42  }
0x27e: {  	v17 =	vmul.f32 v17, v1;
	v47 =	vmul.f32 v45, v4  }
0x27f: {  	v52 =	vadd.f32 v16, v2;
	v48 =	vmul.f32 v12, v4;
	vm12 =	vgt.s32 v44, $0x0  }
0x280: {  	v13 =	vnsel vm12, $0x0, v44;
	v49 =	vadd.f32 v47, v3;
	v50 =	vmul.f32 v11, v4  }
0x281: {  	v14 =	vadd.f32 v14, v2;
	v21 =	vadd.f32 v48, v3;
	v13 =	vmin.u32 v13, $0x6  }
0x282: {  	v46 =	vcvt.s32.f32 v13;
	[tilespmem:s26+$0x1C00] =	vst v13;
	v13 =	vtrunc.f32 v49;
	v3 =	vadd.f32 v50, v3  }
0x283: {  	v17 =	vadd.f32 v17, v2;
	v53 =	vtrunc.f32 v21;
	v13 =	vcvt.f32.s32 v13  }
0x284: {  	v5 =	vsub.f32 v5, v14;
	v16 =	vcvt.f32.s32 v53;
	v3 =	vtrunc.f32 v3  }
0x285: {  	v6 =	vsub.f32 v6, v17;
	vm13 =	vgt.s32 v13, $0x0;
	v3 =	vcvt.f32.s32 v3  }
0x286: {  	v18 =	vmul.f32 v46, v1;
	vm14 =	vgt.s32 v16, $0x0;
	v13 =	vnsel vm13, $0x0, v13  }
0x287: {  	v16 =	vnsel vm14, $0x0, v16;
	vm15 =	vgt.s32 v3, $0x0;
	v13 =	vmin.u32 v13, $0x6  }
0x288: {  	v51 =	vld [tilespmem:s24+$0x380];
	v16 =	vmin.u32 v16, $0x6;
	v3 =	vnsel vm15, $0x0, v3;
	v54 =	vcvt.s32.f32 v13  }
0x289: {  	v18 =	vadd.f32 v18, v2;
	v55 =	vcvt.s32.f32 v16;
	v3 =	vmin.u32 v3, $0x6  }
0x28a: {  	v4 =	vsub.f32 v7, v52;
	[tilespmem:s26+$0xFFFFEC00] =	vst v13;
	v56 =	vcvt.s32.f32 v3;
	v57 =	vmul.f32 v54, v1  }
0x28b: {  	v5 =	vsub.f32 v8, v5;
	[tilespmem:s26+$0xFFFFFC00] =	vst v16;
	v18 =	vsub.f32 v32, v18;
	v59 =	vmul.f32 v55, v1;
	v58 =	vld [tilespmem:s24+$0xFFFFFD80]  }
0x28c: {  	v4 =	vsub.f32 v10, v4;
	v60 =	vld [tilespmem:s24+$0xFFFFFF80];
	[tilespmem:s26+$0xC00] =	vst v3;
	v3 =	vadd.f32 v57, v2;
	v1 =	vmul.f32 v56, v1  }
0x28d: {  	v18 =	vsub.f32 v51, v18;
	v62 =	vadd.f32 v59, v2;
	v61 =	vld [tilespmem:s24+$0x180]  }
0x28e: {  	s20 =	sadd.s32 $0x1, s20;
	[tilespmem:s25+$0xFFFFFF80] =	vst v5;
	v1 =	vadd.f32 v1, v2;
	v2 =	vsub.f32 v45, v3  }
0x28f: {  	p0 =	sne.s32 s20, $0x8;
	[tilespmem:s25+$0xFFFFFD80] =	vst v4;
	v63 =	vsub.f32 v12, v62;
	v3 =	vsub.f32 v9, v6  }
.Ltmp4:
0x290: {  	[tilespmem:s24+$0x380] =	vst v18;
	v1 =	vsub.f32 v11, v1;
	v2 =	vsub.f32 v58, v2;
	(pc) =	sbr.rel @p0 .LBB2_3-.Ltmp4, $4  }
0x291: {  	[tilespmem:s25+$0x180] =	vst v3;
	v3 =	vsub.f32 v60, v63  }
0x292: {  	[tilespmem:s24+$0xFFFFFD80] =	vst v2;
	v1 =	vsub.f32 v61, v1  }
0x293: {  	[tilespmem:s24+$0xFFFFFF80] =	vst v3  }
0x294: {  	s17 =	sadd.s32 $0x10, s17;
	s18 =	sadd.s32 $0x10, s18;
	s19 =	sadd.s32 $0x10, s19;
	[tilespmem:s24+$0x180] =	vst v1  }
0x295: {  	p0 =	seq.s32 s15, $0x0;
	p1 =	sne.s32 s14, $0x0  }
0x296: {  	p0 =	por !p1, !p0  }
0x297: {  	s0 =	simm.s32 $0x1;
	p0 =	por !p0, !p0  }
0x298: {  	s0 =	simm.s32 @!p0 $0x0  }
0x299: {  	s0 =	ssub.s32 s7, s0  }
0x29a: {  	s8 =	sshll.u32 s14, $0xA;
	s3 =	sshll.u32 s0, $0x10  }
0x29b: {  	s3 =	sadd.s32 s8, s3  }
0x29c: {  	s3 =	sshrl.u32 s3, $0x3  }
0x29d: {  	s0 =	sshll.u32 s0, $0x13;
	s3 =	sadd.s32 s1, s3  }
0x29e: {  	[hbm4b:s3+s10] =	stream.strided.scatter [tilespmem:s12], [sflag:$0x1], $0x2000, s11, s10, $0x38;
	[tilespmem:$0x14400] =	vst v63  }
0x29f: {  	s14 =	sadd.s32 $0x1, s14;
	s0 =	sadd.s32 s8, s0;
	_ =	swait.ge [sflag:s9], $0x2000  }
0x2a0: {  	p0 =	sne.s32 s14, $0x8;
	s0 =	sshrl.u32 s0, $0x3;
	[sflag:s9] =	ssyncset.done $0x0  }
.Ltmp5:
0x2a1: {  	s0 =	sadd.s32 s2, s0;
	[sflag:s9] =	ssyncadd.s32 $0xFFFFE000;
	(pc) =	sbr.rel @p0 .LBB2_2-.Ltmp5, $4  }
0x2a2: {  	[hbm4b:s0+s10] =	stream.strided.scatter [tilespmem:s13], [sflag:$0x1], $0x10000, s11, s10, $0x38;
	[tilespmem:$0x14400] =	vst v63  }
0x2a3: {  	_ =	swait.ge [sflag:s9], $0x10000  }
0x2a4: {  	[sflag:s9] =	ssyncset.done $0x0  }
0x2a5: {  	[sflag:s9] =	ssyncadd.s32 $0xFFFF0000  }
0x2a6: {  	s4 =	sadd.s32 $0x1, s4;
	s0 =	rddreg [dreg:$0x4]  }
0x2a7: {  	p0 =	sne.s32 s4, s0  }
.Ltmp6:
0x2a8: {  	_ = 	snop;
	(pc) =	sbr.rel @p0 .LBB2_1-.Ltmp6, $1  }
0x2a9: {  	_ =	sdelay $0x3  }
0x2aa: {  	_ =	sfence.sel $0x180000  }
0x2ab: {  	[bflag:$0x0] =	sbarrier.arrive $0xFFFF  }
0x2ac: {  	_ =	strace $0x90000047  }
0x2ad: {  	s0 =	stileid.u32;
	[bflag:$0x2] =	sbarrier.arrive $0xFFFF  }
0x2ae: {  	p0 =	sne.s32 s0, $0x0;
	s0 =	rddreg [dreg:$0x3]  }
0x2af: {  	s0 =	sadd.s32 @!p0 $0x100000, s0  }
0x2b0: {  	[sflag:s0] =	ssyncadd.tile.s32 @!p0 $0x1;
	_ =	shalt  }
.Lfunc_end2:
_tile_overlayer_lowered:
.L_overlay_start_2:
0x2b1: {  	(tag) =	ssettag $0x2  }
0x2b2: {  	s0 =	rddreg [dreg:$0x0];
	s2 =	stileid.u32  }
0x2b3: {  	s1 =	rddreg [dreg:$0x1];
	p0 =	sne.s32 s2, $0x0  }
0x2b4: {  	s3 =	rddreg [dreg:$0x2];
	[bflag:$0x3] =	sbarrier.arrive $0xFFFF;
	s2 =	simm.s32 @!p0 $0x1C01  }
0x2b5: {  	[timem:s3], [sflag:s2] =	dma.local @!p0 [hbm:s0], s1  }
0x2b6: {  	s0 =	simm.s32 @!p0 $0x1  }
0x2b7: {  	_ =	swait.ge @!p0 [sflag:s0], s1  }
0x2b8: {  	s1 =	ssub.s32 @!p0 $0x0, s1;
	[sflag:s0] =	ssyncset.done @!p0 $0x0  }
0x2b9: {  	[sflag:s0] =	ssyncadd.s32 @!p0 s1  }
0x2ba: {  	[bflag:$0x3] =	sbarrier.arrive $0xFFFF  }
0x2bb: {  	_ =	shalt  }

</sc_bundles>
